<compile_context>
chip_gen: v7x
topology: tpu7x:2x2x1
jax: 0.10.2.dev20260603
libtpu: 0.0.44.dev20260713+nightly
codegen_flags: <defaults>
</compile_context>

<pallas_src>
import functools

import jax
import jax.numpy as jnp
from jax import lax
from jax.experimental import pallas as pl
from jax.experimental.pallas import tpu as pltpu
from jax.experimental.pallas import tpu_sc as plsc

NC = 2
NS = 16
NW = NC * NS
CH = 128
K = 10


@functools.partial(jax.jit, static_argnums=(2,))
def _emb_lookup(x_blk, table, dim):
    n = x_blk.shape[0] * x_blk.shape[1]
    per_w = n // NW
    nchunk = per_w // CH
    rows_w = per_w // 128

    @functools.partial(
        pl.kernel,
        mesh=plsc.VectorSubcoreMesh(core_axis_name="c", subcore_axis_name="s"),
        out_type=jax.ShapeDtypeStruct((n, 128), jnp.float32),
        scratch_types=[
            pltpu.VMEM((rows_w, 128), jnp.int32),
            pltpu.VMEM((K, CH, 64), jnp.float32),
            pltpu.SemaphoreType.DMA((K,)),
        ],
        compiler_params=pltpu.CompilerParams(use_tc_tiling_on_sc=False),
    )
    def body(x_hbm, table_hbm, out_hbm, idx_v, rows_v, gsem):
        wid = lax.axis_index("s") * NC + lax.axis_index("c")
        base = wid * per_w
        pltpu.sync_copy(x_hbm.at[pl.ds(wid * rows_w, rows_w)], idx_v)

        def start(j, b):
            pltpu.async_copy(table_hbm.at[idx_v.at[j]], rows_v.at[b], gsem.at[b])

        def wait(j, b):
            pltpu.make_async_copy(
                table_hbm.at[idx_v.at[j]], rows_v.at[b], gsem.at[b]
            ).wait()

        for b in range(K):
            start(b, b)

        def loop(g, carry):
            for b in range(K):
                j = g * K + b
                wait(j, b)
                pltpu.sync_copy(
                    rows_v.at[b],
                    out_hbm.at[pl.ds(base + j * CH, CH), pl.ds(0, 64)],
                )
                nj = j + K

                @pl.when(nj < nchunk)
                def _():
                    start(nj, b)

            return carry

        lax.fori_loop(0, nchunk // K, loop, 0)

    return body(x_blk, table)


def kernel(x, table):
    b, h = x.shape
    v, d = table.shape
    n = b * h
    assert d == 64 and n % (NW * CH * K) == 0
    x_blk = x.reshape(-1, 128).astype(jnp.int32)
    out2 = _emb_lookup(x_blk, table, d)
    return out2[:, :d].reshape(b, h, d)

# --- scband reference (transcript-rebuilt; emitter-appended) ---
"""Pipeline reference for scband-embedding-22668837388660 (READ-ONLY COPY).

The authoritative reference and input builder live on the scoring server;
editing this copy changes nothing except your own understanding.
"""

import jax, jax.numpy as jnp
import numpy as np

VOCAB = 1000000
EMBED_DIM = 64
BATCH = 4096
HIST = 200

def setup_inputs(seed: int = 0) -> dict:
    key = jax.random.key(seed)
    k1, k2 = jax.random.split(key)
    x = jax.random.randint(k1, (BATCH, HIST), 0, VOCAB, dtype=jnp.int64 if jax.config.jax_enable_x64 else jnp.int32)
    table = jax.random.normal(k2, (VOCAB, EMBED_DIM), dtype=jnp.float32)
    return {"x": x, "table": table}

def reference(x, table):
    # nn.Embedding forward: gather rows of the table by index.
    # frac_gradient=1.0 means the frac_gradient scaling branch is a no-op (and only active in training).
    out = jnp.take(table, x, axis=0)
    return out

if __name__ == "__main__":
    import jax
    _d = setup_inputs()
    print(jax.jit(kernel)(*tuple(_d.values())))

</pallas_src>

<mosaic_0001>
#map = affine_map<(d0, d1) -> (0, 0)>
module attributes {stable_mosaic.version = 14 : i64} {
  func.func @body(%arg0: i32, %arg1: i32, %arg2: memref<6400x128xi32, #tpu.memory_space<hbm>>, %arg3: memref<1000000x64xf32, #tpu.memory_space<hbm>>, %arg4: memref<819200x128xf32, #tpu.memory_space<hbm>>, %arg5: memref<200x128xi32, #tpu.memory_space<vmem>>, %arg6: memref<10x128x64xf32, #tpu.memory_space<vmem>>, %arg7: memref<10x!tpu.dma_semaphore, #tpu.memory_space<semaphore_mem>>) attributes {dimension_semantics = [#tpu.dimension_semantics<core_parallel>, #tpu.dimension_semantics<subcore_parallel>], iteration_bounds = array<i64: 2, 16>, scalar_prefetch = 0 : i64, scratch_operands = 3 : i64, tpu.core_type = #tpu.core_type<sc_vector_subcore>, window_params = [{transform_indices = #map}, {transform_indices = #map}, {transform_indices = #map}]} {
    %mul3A = arith.constant 2 : i32
    %mul3A_0 = arith.muli %arg1, %mul3A : i32
    %add3A = arith.addi %mul3A_0, %arg0 : i32
    %mul3A_1 = arith.constant 25600 : i32
    %mul3A_2 = arith.muli %add3A, %mul3A_1 : i32
    %mul3A_3 = arith.constant 200 : i32
    %mul3A_4 = arith.muli %add3A, %mul3A_3 : i32
    "tpu.region"() ({
      %run_scoped3A = tpu.sem_alloc : memref<!tpu.dma_semaphore, #tpu.memory_space<semaphore_mem>>
      %dma_start3A_159 = arith.constant 0 : i32
      %dma_start3A_160 = tpu.memref_slice %arg2[%mul3A_4, %dma_start3A_159] : memref<6400x128xi32, #tpu.memory_space<hbm>> -> memref<200x128xi32, #tpu.memory_space<hbm>>
      %dma_start3A_161 = arith.constant 0 : i32
      %dma_start3A_162 = tpu.memref_slice %arg2[%mul3A_4, %dma_start3A_161] : memref<6400x128xi32, #tpu.memory_space<hbm>> -> memref<200x128xi32, #tpu.memory_space<hbm>>
      tpu.enqueue_dma source(%dma_start3A_162 : memref<200x128xi32, #tpu.memory_space<hbm>>) target(%arg5 : memref<200x128xi32, #tpu.memory_space<vmem>>) target_semaphore(%run_scoped3A : memref<!tpu.dma_semaphore, #tpu.memory_space<semaphore_mem>>)
      %dma_wait3A = arith.constant 0 : i32
      %dma_wait3A_163 = tpu.memref_slice %arg2[%mul3A_4, %dma_wait3A] : memref<6400x128xi32, #tpu.memory_space<hbm>> -> memref<200x128xi32, #tpu.memory_space<hbm>>
      %dma_wait3A_164 = arith.constant 0 : i32
      %dma_wait3A_165 = tpu.memref_slice %arg2[%mul3A_4, %dma_wait3A_164] : memref<6400x128xi32, #tpu.memory_space<hbm>> -> memref<200x128xi32, #tpu.memory_space<hbm>>
      tpu.wait_dma2 semaphore(%run_scoped3A : memref<!tpu.dma_semaphore, #tpu.memory_space<semaphore_mem>>) src(%dma_wait3A_165 : memref<200x128xi32, #tpu.memory_space<hbm>>) dst(%arg5 : memref<200x128xi32, #tpu.memory_space<vmem>>)
      tpu.yield
    }) : () -> ()
    %dma_start3A = arith.constant 0 : i32
    %dma_start3A_5 = arith.constant 0 : i32
    %dma_start3A_6 = arith.constant 0 : i32
    %dma_start3A_7 = arith.constant 0 : i32
    %dma_start3A_8 = arith.constant 0 : i32
    %dma_start3A_9 = tpu.memref_slice %arg6[%dma_start3A_5, %dma_start3A_7, %dma_start3A_8] : memref<10x128x64xf32, #tpu.memory_space<vmem>> -> memref<1x128x64xf32, #tpu.memory_space<vmem>>
    %dma_start3A_10 = tpu.memref_squeeze %dma_start3A_9 : memref<1x128x64xf32, #tpu.memory_space<vmem>> -> memref<128x64xf32, #tpu.memory_space<vmem>>
    %dma_start3A_11 = arith.constant 0 : i32
    %dma_start3A_12 = tpu.memref_slice %arg5[%dma_start3A, %dma_start3A_11] : memref<200x128xi32, #tpu.memory_space<vmem>> -> memref<1x128xi32, #tpu.memory_space<vmem>>
    %dma_start3A_13 = tpu.memref_squeeze %dma_start3A_12 : memref<1x128xi32, #tpu.memory_space<vmem>> -> memref<128xi32, #tpu.memory_space<vmem>>
    %dma_start3A_14 = arith.constant 0 : i32
    %dma_start3A_15 = arith.constant 0 : i32
    %dma_start3A_16 = tpu.memref_slice %arg3[%dma_start3A_14, %dma_start3A_15] : memref<1000000x64xf32, #tpu.memory_space<hbm>> -> memref<1000000x64xf32, #tpu.memory_space<hbm>>
    %dma_start3A_17 = tpu.memref_slice %arg7[%dma_start3A_6] : memref<10x!tpu.dma_semaphore, #tpu.memory_space<semaphore_mem>> -> memref<1x!tpu.dma_semaphore, #tpu.memory_space<semaphore_mem>>
    %dma_start3A_18 = tpu.memref_squeeze %dma_start3A_17 : memref<1x!tpu.dma_semaphore, #tpu.memory_space<semaphore_mem>> -> memref<!tpu.dma_semaphore, #tpu.memory_space<semaphore_mem>>
    tpu.enqueue_indirect_dma source(%dma_start3A_16 : memref<1000000x64xf32, #tpu.memory_space<hbm>>) target(%dma_start3A_10 : memref<128x64xf32, #tpu.memory_space<vmem>>) offsets(%dma_start3A_13 : memref<128xi32, #tpu.memory_space<vmem>>) semaphore(%dma_start3A_18 : memref<!tpu.dma_semaphore, #tpu.memory_space<semaphore_mem>>)
    %dma_start3A_19 = arith.constant 1 : i32
    %dma_start3A_20 = arith.constant 1 : i32
    %dma_start3A_21 = arith.constant 1 : i32
    %dma_start3A_22 = arith.constant 0 : i32
    %dma_start3A_23 = arith.constant 0 : i32
    %dma_start3A_24 = tpu.memref_slice %arg6[%dma_start3A_20, %dma_start3A_22, %dma_start3A_23] : memref<10x128x64xf32, #tpu.memory_space<vmem>> -> memref<1x128x64xf32, #tpu.memory_space<vmem>>
    %dma_start3A_25 = tpu.memref_squeeze %dma_start3A_24 : memref<1x128x64xf32, #tpu.memory_space<vmem>> -> memref<128x64xf32, #tpu.memory_space<vmem>>
    %dma_start3A_26 = arith.constant 0 : i32
    %dma_start3A_27 = tpu.memref_slice %arg5[%dma_start3A_19, %dma_start3A_26] : memref<200x128xi32, #tpu.memory_space<vmem>> -> memref<1x128xi32, #tpu.memory_space<vmem>>
    %dma_start3A_28 = tpu.memref_squeeze %dma_start3A_27 : memref<1x128xi32, #tpu.memory_space<vmem>> -> memref<128xi32, #tpu.memory_space<vmem>>
    %dma_start3A_29 = arith.constant 0 : i32
    %dma_start3A_30 = arith.constant 0 : i32
    %dma_start3A_31 = tpu.memref_slice %arg3[%dma_start3A_29, %dma_start3A_30] : memref<1000000x64xf32, #tpu.memory_space<hbm>> -> memref<1000000x64xf32, #tpu.memory_space<hbm>>
    %dma_start3A_32 = tpu.memref_slice %arg7[%dma_start3A_21] : memref<10x!tpu.dma_semaphore, #tpu.memory_space<semaphore_mem>> -> memref<1x!tpu.dma_semaphore, #tpu.memory_space<semaphore_mem>>
    %dma_start3A_33 = tpu.memref_squeeze %dma_start3A_32 : memref<1x!tpu.dma_semaphore, #tpu.memory_space<semaphore_mem>> -> memref<!tpu.dma_semaphore, #tpu.memory_space<semaphore_mem>>
    tpu.enqueue_indirect_dma source(%dma_start3A_31 : memref<1000000x64xf32, #tpu.memory_space<hbm>>) target(%dma_start3A_25 : memref<128x64xf32, #tpu.memory_space<vmem>>) offsets(%dma_start3A_28 : memref<128xi32, #tpu.memory_space<vmem>>) semaphore(%dma_start3A_33 : memref<!tpu.dma_semaphore, #tpu.memory_space<semaphore_mem>>)
    %dma_start3A_34 = arith.constant 2 : i32
    %dma_start3A_35 = arith.constant 2 : i32
    %dma_start3A_36 = arith.constant 2 : i32
    %dma_start3A_37 = arith.constant 0 : i32
    %dma_start3A_38 = arith.constant 0 : i32
    %dma_start3A_39 = tpu.memref_slice %arg6[%dma_start3A_35, %dma_start3A_37, %dma_start3A_38] : memref<10x128x64xf32, #tpu.memory_space<vmem>> -> memref<1x128x64xf32, #tpu.memory_space<vmem>>
    %dma_start3A_40 = tpu.memref_squeeze %dma_start3A_39 : memref<1x128x64xf32, #tpu.memory_space<vmem>> -> memref<128x64xf32, #tpu.memory_space<vmem>>
    %dma_start3A_41 = arith.constant 0 : i32
    %dma_start3A_42 = tpu.memref_slice %arg5[%dma_start3A_34, %dma_start3A_41] : memref<200x128xi32, #tpu.memory_space<vmem>> -> memref<1x128xi32, #tpu.memory_space<vmem>>
    %dma_start3A_43 = tpu.memref_squeeze %dma_start3A_42 : memref<1x128xi32, #tpu.memory_space<vmem>> -> memref<128xi32, #tpu.memory_space<vmem>>
    %dma_start3A_44 = arith.constant 0 : i32
    %dma_start3A_45 = arith.constant 0 : i32
    %dma_start3A_46 = tpu.memref_slice %arg3[%dma_start3A_44, %dma_start3A_45] : memref<1000000x64xf32, #tpu.memory_space<hbm>> -> memref<1000000x64xf32, #tpu.memory_space<hbm>>
    %dma_start3A_47 = tpu.memref_slice %arg7[%dma_start3A_36] : memref<10x!tpu.dma_semaphore, #tpu.memory_space<semaphore_mem>> -> memref<1x!tpu.dma_semaphore, #tpu.memory_space<semaphore_mem>>
    %dma_start3A_48 = tpu.memref_squeeze %dma_start3A_47 : memref<1x!tpu.dma_semaphore, #tpu.memory_space<semaphore_mem>> -> memref<!tpu.dma_semaphore, #tpu.memory_space<semaphore_mem>>
    tpu.enqueue_indirect_dma source(%dma_start3A_46 : memref<1000000x64xf32, #tpu.memory_space<hbm>>) target(%dma_start3A_40 : memref<128x64xf32, #tpu.memory_space<vmem>>) offsets(%dma_start3A_43 : memref<128xi32, #tpu.memory_space<vmem>>) semaphore(%dma_start3A_48 : memref<!tpu.dma_semaphore, #tpu.memory_space<semaphore_mem>>)
    %dma_start3A_49 = arith.constant 3 : i32
    %dma_start3A_50 = arith.constant 3 : i32
    %dma_start3A_51 = arith.constant 3 : i32
    %dma_start3A_52 = arith.constant 0 : i32
    %dma_start3A_53 = arith.constant 0 : i32
    %dma_start3A_54 = tpu.memref_slice %arg6[%dma_start3A_50, %dma_start3A_52, %dma_start3A_53] : memref<10x128x64xf32, #tpu.memory_space<vmem>> -> memref<1x128x64xf32, #tpu.memory_space<vmem>>
    %dma_start3A_55 = tpu.memref_squeeze %dma_start3A_54 : memref<1x128x64xf32, #tpu.memory_space<vmem>> -> memref<128x64xf32, #tpu.memory_space<vmem>>
    %dma_start3A_56 = arith.constant 0 : i32
    %dma_start3A_57 = tpu.memref_slice %arg5[%dma_start3A_49, %dma_start3A_56] : memref<200x128xi32, #tpu.memory_space<vmem>> -> memref<1x128xi32, #tpu.memory_space<vmem>>
    %dma_start3A_58 = tpu.memref_squeeze %dma_start3A_57 : memref<1x128xi32, #tpu.memory_space<vmem>> -> memref<128xi32, #tpu.memory_space<vmem>>
    %dma_start3A_59 = arith.constant 0 : i32
    %dma_start3A_60 = arith.constant 0 : i32
    %dma_start3A_61 = tpu.memref_slice %arg3[%dma_start3A_59, %dma_start3A_60] : memref<1000000x64xf32, #tpu.memory_space<hbm>> -> memref<1000000x64xf32, #tpu.memory_space<hbm>>
    %dma_start3A_62 = tpu.memref_slice %arg7[%dma_start3A_51] : memref<10x!tpu.dma_semaphore, #tpu.memory_space<semaphore_mem>> -> memref<1x!tpu.dma_semaphore, #tpu.memory_space<semaphore_mem>>
    %dma_start3A_63 = tpu.memref_squeeze %dma_start3A_62 : memref<1x!tpu.dma_semaphore, #tpu.memory_space<semaphore_mem>> -> memref<!tpu.dma_semaphore, #tpu.memory_space<semaphore_mem>>
    tpu.enqueue_indirect_dma source(%dma_start3A_61 : memref<1000000x64xf32, #tpu.memory_space<hbm>>) target(%dma_start3A_55 : memref<128x64xf32, #tpu.memory_space<vmem>>) offsets(%dma_start3A_58 : memref<128xi32, #tpu.memory_space<vmem>>) semaphore(%dma_start3A_63 : memref<!tpu.dma_semaphore, #tpu.memory_space<semaphore_mem>>)
    %dma_start3A_64 = arith.constant 4 : i32
    %dma_start3A_65 = arith.constant 4 : i32
    %dma_start3A_66 = arith.constant 4 : i32
    %dma_start3A_67 = arith.constant 0 : i32
    %dma_start3A_68 = arith.constant 0 : i32
    %dma_start3A_69 = tpu.memref_slice %arg6[%dma_start3A_65, %dma_start3A_67, %dma_start3A_68] : memref<10x128x64xf32, #tpu.memory_space<vmem>> -> memref<1x128x64xf32, #tpu.memory_space<vmem>>
    %dma_start3A_70 = tpu.memref_squeeze %dma_start3A_69 : memref<1x128x64xf32, #tpu.memory_space<vmem>> -> memref<128x64xf32, #tpu.memory_space<vmem>>
    %dma_start3A_71 = arith.constant 0 : i32
    %dma_start3A_72 = tpu.memref_slice %arg5[%dma_start3A_64, %dma_start3A_71] : memref<200x128xi32, #tpu.memory_space<vmem>> -> memref<1x128xi32, #tpu.memory_space<vmem>>
    %dma_start3A_73 = tpu.memref_squeeze %dma_start3A_72 : memref<1x128xi32, #tpu.memory_space<vmem>> -> memref<128xi32, #tpu.memory_space<vmem>>
    %dma_start3A_74 = arith.constant 0 : i32
    %dma_start3A_75 = arith.constant 0 : i32
    %dma_start3A_76 = tpu.memref_slice %arg3[%dma_start3A_74, %dma_start3A_75] : memref<1000000x64xf32, #tpu.memory_space<hbm>> -> memref<1000000x64xf32, #tpu.memory_space<hbm>>
    %dma_start3A_77 = tpu.memref_slice %arg7[%dma_start3A_66] : memref<10x!tpu.dma_semaphore, #tpu.memory_space<semaphore_mem>> -> memref<1x!tpu.dma_semaphore, #tpu.memory_space<semaphore_mem>>
    %dma_start3A_78 = tpu.memref_squeeze %dma_start3A_77 : memref<1x!tpu.dma_semaphore, #tpu.memory_space<semaphore_mem>> -> memref<!tpu.dma_semaphore, #tpu.memory_space<semaphore_mem>>
    tpu.enqueue_indirect_dma source(%dma_start3A_76 : memref<1000000x64xf32, #tpu.memory_space<hbm>>) target(%dma_start3A_70 : memref<128x64xf32, #tpu.memory_space<vmem>>) offsets(%dma_start3A_73 : memref<128xi32, #tpu.memory_space<vmem>>) semaphore(%dma_start3A_78 : memref<!tpu.dma_semaphore, #tpu.memory_space<semaphore_mem>>)
    %dma_start3A_79 = arith.constant 5 : i32
    %dma_start3A_80 = arith.constant 5 : i32
    %dma_start3A_81 = arith.constant 5 : i32
    %dma_start3A_82 = arith.constant 0 : i32
    %dma_start3A_83 = arith.constant 0 : i32
    %dma_start3A_84 = tpu.memref_slice %arg6[%dma_start3A_80, %dma_start3A_82, %dma_start3A_83] : memref<10x128x64xf32, #tpu.memory_space<vmem>> -> memref<1x128x64xf32, #tpu.memory_space<vmem>>
    %dma_start3A_85 = tpu.memref_squeeze %dma_start3A_84 : memref<1x128x64xf32, #tpu.memory_space<vmem>> -> memref<128x64xf32, #tpu.memory_space<vmem>>
    %dma_start3A_86 = arith.constant 0 : i32
    %dma_start3A_87 = tpu.memref_slice %arg5[%dma_start3A_79, %dma_start3A_86] : memref<200x128xi32, #tpu.memory_space<vmem>> -> memref<1x128xi32, #tpu.memory_space<vmem>>
    %dma_start3A_88 = tpu.memref_squeeze %dma_start3A_87 : memref<1x128xi32, #tpu.memory_space<vmem>> -> memref<128xi32, #tpu.memory_space<vmem>>
    %dma_start3A_89 = arith.constant 0 : i32
    %dma_start3A_90 = arith.constant 0 : i32
    %dma_start3A_91 = tpu.memref_slice %arg3[%dma_start3A_89, %dma_start3A_90] : memref<1000000x64xf32, #tpu.memory_space<hbm>> -> memref<1000000x64xf32, #tpu.memory_space<hbm>>
    %dma_start3A_92 = tpu.memref_slice %arg7[%dma_start3A_81] : memref<10x!tpu.dma_semaphore, #tpu.memory_space<semaphore_mem>> -> memref<1x!tpu.dma_semaphore, #tpu.memory_space<semaphore_mem>>
    %dma_start3A_93 = tpu.memref_squeeze %dma_start3A_92 : memref<1x!tpu.dma_semaphore, #tpu.memory_space<semaphore_mem>> -> memref<!tpu.dma_semaphore, #tpu.memory_space<semaphore_mem>>
    tpu.enqueue_indirect_dma source(%dma_start3A_91 : memref<1000000x64xf32, #tpu.memory_space<hbm>>) target(%dma_start3A_85 : memref<128x64xf32, #tpu.memory_space<vmem>>) offsets(%dma_start3A_88 : memref<128xi32, #tpu.memory_space<vmem>>) semaphore(%dma_start3A_93 : memref<!tpu.dma_semaphore, #tpu.memory_space<semaphore_mem>>)
    %dma_start3A_94 = arith.constant 6 : i32
    %dma_start3A_95 = arith.constant 6 : i32
    %dma_start3A_96 = arith.constant 6 : i32
    %dma_start3A_97 = arith.constant 0 : i32
    %dma_start3A_98 = arith.constant 0 : i32
    %dma_start3A_99 = tpu.memref_slice %arg6[%dma_start3A_95, %dma_start3A_97, %dma_start3A_98] : memref<10x128x64xf32, #tpu.memory_space<vmem>> -> memref<1x128x64xf32, #tpu.memory_space<vmem>>
    %dma_start3A_100 = tpu.memref_squeeze %dma_start3A_99 : memref<1x128x64xf32, #tpu.memory_space<vmem>> -> memref<128x64xf32, #tpu.memory_space<vmem>>
    %dma_start3A_101 = arith.constant 0 : i32
    %dma_start3A_102 = tpu.memref_slice %arg5[%dma_start3A_94, %dma_start3A_101] : memref<200x128xi32, #tpu.memory_space<vmem>> -> memref<1x128xi32, #tpu.memory_space<vmem>>
    %dma_start3A_103 = tpu.memref_squeeze %dma_start3A_102 : memref<1x128xi32, #tpu.memory_space<vmem>> -> memref<128xi32, #tpu.memory_space<vmem>>
    %dma_start3A_104 = arith.constant 0 : i32
    %dma_start3A_105 = arith.constant 0 : i32
    %dma_start3A_106 = tpu.memref_slice %arg3[%dma_start3A_104, %dma_start3A_105] : memref<1000000x64xf32, #tpu.memory_space<hbm>> -> memref<1000000x64xf32, #tpu.memory_space<hbm>>
    %dma_start3A_107 = tpu.memref_slice %arg7[%dma_start3A_96] : memref<10x!tpu.dma_semaphore, #tpu.memory_space<semaphore_mem>> -> memref<1x!tpu.dma_semaphore, #tpu.memory_space<semaphore_mem>>
    %dma_start3A_108 = tpu.memref_squeeze %dma_start3A_107 : memref<1x!tpu.dma_semaphore, #tpu.memory_space<semaphore_mem>> -> memref<!tpu.dma_semaphore, #tpu.memory_space<semaphore_mem>>
    tpu.enqueue_indirect_dma source(%dma_start3A_106 : memref<1000000x64xf32, #tpu.memory_space<hbm>>) target(%dma_start3A_100 : memref<128x64xf32, #tpu.memory_space<vmem>>) offsets(%dma_start3A_103 : memref<128xi32, #tpu.memory_space<vmem>>) semaphore(%dma_start3A_108 : memref<!tpu.dma_semaphore, #tpu.memory_space<semaphore_mem>>)
    %dma_start3A_109 = arith.constant 7 : i32
    %dma_start3A_110 = arith.constant 7 : i32
    %dma_start3A_111 = arith.constant 7 : i32
    %dma_start3A_112 = arith.constant 0 : i32
    %dma_start3A_113 = arith.constant 0 : i32
    %dma_start3A_114 = tpu.memref_slice %arg6[%dma_start3A_110, %dma_start3A_112, %dma_start3A_113] : memref<10x128x64xf32, #tpu.memory_space<vmem>> -> memref<1x128x64xf32, #tpu.memory_space<vmem>>
    %dma_start3A_115 = tpu.memref_squeeze %dma_start3A_114 : memref<1x128x64xf32, #tpu.memory_space<vmem>> -> memref<128x64xf32, #tpu.memory_space<vmem>>
    %dma_start3A_116 = arith.constant 0 : i32
    %dma_start3A_117 = tpu.memref_slice %arg5[%dma_start3A_109, %dma_start3A_116] : memref<200x128xi32, #tpu.memory_space<vmem>> -> memref<1x128xi32, #tpu.memory_space<vmem>>
    %dma_start3A_118 = tpu.memref_squeeze %dma_start3A_117 : memref<1x128xi32, #tpu.memory_space<vmem>> -> memref<128xi32, #tpu.memory_space<vmem>>
    %dma_start3A_119 = arith.constant 0 : i32
    %dma_start3A_120 = arith.constant 0 : i32
    %dma_start3A_121 = tpu.memref_slice %arg3[%dma_start3A_119, %dma_start3A_120] : memref<1000000x64xf32, #tpu.memory_space<hbm>> -> memref<1000000x64xf32, #tpu.memory_space<hbm>>
    %dma_start3A_122 = tpu.memref_slice %arg7[%dma_start3A_111] : memref<10x!tpu.dma_semaphore, #tpu.memory_space<semaphore_mem>> -> memref<1x!tpu.dma_semaphore, #tpu.memory_space<semaphore_mem>>
    %dma_start3A_123 = tpu.memref_squeeze %dma_start3A_122 : memref<1x!tpu.dma_semaphore, #tpu.memory_space<semaphore_mem>> -> memref<!tpu.dma_semaphore, #tpu.memory_space<semaphore_mem>>
    tpu.enqueue_indirect_dma source(%dma_start3A_121 : memref<1000000x64xf32, #tpu.memory_space<hbm>>) target(%dma_start3A_115 : memref<128x64xf32, #tpu.memory_space<vmem>>) offsets(%dma_start3A_118 : memref<128xi32, #tpu.memory_space<vmem>>) semaphore(%dma_start3A_123 : memref<!tpu.dma_semaphore, #tpu.memory_space<semaphore_mem>>)
    %dma_start3A_124 = arith.constant 8 : i32
    %dma_start3A_125 = arith.constant 8 : i32
    %dma_start3A_126 = arith.constant 8 : i32
    %dma_start3A_127 = arith.constant 0 : i32
    %dma_start3A_128 = arith.constant 0 : i32
    %dma_start3A_129 = tpu.memref_slice %arg6[%dma_start3A_125, %dma_start3A_127, %dma_start3A_128] : memref<10x128x64xf32, #tpu.memory_space<vmem>> -> memref<1x128x64xf32, #tpu.memory_space<vmem>>
    %dma_start3A_130 = tpu.memref_squeeze %dma_start3A_129 : memref<1x128x64xf32, #tpu.memory_space<vmem>> -> memref<128x64xf32, #tpu.memory_space<vmem>>
    %dma_start3A_131 = arith.constant 0 : i32
    %dma_start3A_132 = tpu.memref_slice %arg5[%dma_start3A_124, %dma_start3A_131] : memref<200x128xi32, #tpu.memory_space<vmem>> -> memref<1x128xi32, #tpu.memory_space<vmem>>
    %dma_start3A_133 = tpu.memref_squeeze %dma_start3A_132 : memref<1x128xi32, #tpu.memory_space<vmem>> -> memref<128xi32, #tpu.memory_space<vmem>>
    %dma_start3A_134 = arith.constant 0 : i32
    %dma_start3A_135 = arith.constant 0 : i32
    %dma_start3A_136 = tpu.memref_slice %arg3[%dma_start3A_134, %dma_start3A_135] : memref<1000000x64xf32, #tpu.memory_space<hbm>> -> memref<1000000x64xf32, #tpu.memory_space<hbm>>
    %dma_start3A_137 = tpu.memref_slice %arg7[%dma_start3A_126] : memref<10x!tpu.dma_semaphore, #tpu.memory_space<semaphore_mem>> -> memref<1x!tpu.dma_semaphore, #tpu.memory_space<semaphore_mem>>
    %dma_start3A_138 = tpu.memref_squeeze %dma_start3A_137 : memref<1x!tpu.dma_semaphore, #tpu.memory_space<semaphore_mem>> -> memref<!tpu.dma_semaphore, #tpu.memory_space<semaphore_mem>>
    tpu.enqueue_indirect_dma source(%dma_start3A_136 : memref<1000000x64xf32, #tpu.memory_space<hbm>>) target(%dma_start3A_130 : memref<128x64xf32, #tpu.memory_space<vmem>>) offsets(%dma_start3A_133 : memref<128xi32, #tpu.memory_space<vmem>>) semaphore(%dma_start3A_138 : memref<!tpu.dma_semaphore, #tpu.memory_space<semaphore_mem>>)
    %dma_start3A_139 = arith.constant 9 : i32
    %dma_start3A_140 = arith.constant 9 : i32
    %dma_start3A_141 = arith.constant 9 : i32
    %dma_start3A_142 = arith.constant 0 : i32
    %dma_start3A_143 = arith.constant 0 : i32
    %dma_start3A_144 = tpu.memref_slice %arg6[%dma_start3A_140, %dma_start3A_142, %dma_start3A_143] : memref<10x128x64xf32, #tpu.memory_space<vmem>> -> memref<1x128x64xf32, #tpu.memory_space<vmem>>
    %dma_start3A_145 = tpu.memref_squeeze %dma_start3A_144 : memref<1x128x64xf32, #tpu.memory_space<vmem>> -> memref<128x64xf32, #tpu.memory_space<vmem>>
    %dma_start3A_146 = arith.constant 0 : i32
    %dma_start3A_147 = tpu.memref_slice %arg5[%dma_start3A_139, %dma_start3A_146] : memref<200x128xi32, #tpu.memory_space<vmem>> -> memref<1x128xi32, #tpu.memory_space<vmem>>
    %dma_start3A_148 = tpu.memref_squeeze %dma_start3A_147 : memref<1x128xi32, #tpu.memory_space<vmem>> -> memref<128xi32, #tpu.memory_space<vmem>>
    %dma_start3A_149 = arith.constant 0 : i32
    %dma_start3A_150 = arith.constant 0 : i32
    %dma_start3A_151 = tpu.memref_slice %arg3[%dma_start3A_149, %dma_start3A_150] : memref<1000000x64xf32, #tpu.memory_space<hbm>> -> memref<1000000x64xf32, #tpu.memory_space<hbm>>
    %dma_start3A_152 = tpu.memref_slice %arg7[%dma_start3A_141] : memref<10x!tpu.dma_semaphore, #tpu.memory_space<semaphore_mem>> -> memref<1x!tpu.dma_semaphore, #tpu.memory_space<semaphore_mem>>
    %dma_start3A_153 = tpu.memref_squeeze %dma_start3A_152 : memref<1x!tpu.dma_semaphore, #tpu.memory_space<semaphore_mem>> -> memref<!tpu.dma_semaphore, #tpu.memory_space<semaphore_mem>>
    tpu.enqueue_indirect_dma source(%dma_start3A_151 : memref<1000000x64xf32, #tpu.memory_space<hbm>>) target(%dma_start3A_145 : memref<128x64xf32, #tpu.memory_space<vmem>>) offsets(%dma_start3A_148 : memref<128xi32, #tpu.memory_space<vmem>>) semaphore(%dma_start3A_153 : memref<!tpu.dma_semaphore, #tpu.memory_space<semaphore_mem>>)
    %scan3A = arith.constant 0 : i32
    %scan3A_154 = arith.constant 0 : i32
    %scan3A_155 = arith.constant 20 : i32
    %scan3A_156 = arith.addi %scan3A_154, %scan3A_155 : i32
    %scan3A_157 = arith.constant 1 : i32
    scf.for %scan3A_159 = %scan3A_154 to %scan3A_156 step %scan3A_157  : i32 {
      %mul3A_160 = arith.constant 10 : i32
      %mul3A_161 = arith.muli %scan3A_159, %mul3A_160 : i32
      %add3A_162 = arith.constant 0 : i32
      %add3A_163 = arith.addi %mul3A_161, %add3A_162 : i32
      %dma_wait3A = arith.constant 0 : i32
      %dma_wait3A_164 = arith.constant 0 : i32
      %dma_wait3A_165 = arith.constant 0 : i32
      %dma_wait3A_166 = arith.constant 0 : i32
      %dma_wait3A_167 = tpu.memref_slice %arg6[%dma_wait3A, %dma_wait3A_165, %dma_wait3A_166] : memref<10x128x64xf32, #tpu.memory_space<vmem>> -> memref<1x128x64xf32, #tpu.memory_space<vmem>>
      %dma_wait3A_168 = tpu.memref_squeeze %dma_wait3A_167 : memref<1x128x64xf32, #tpu.memory_space<vmem>> -> memref<128x64xf32, #tpu.memory_space<vmem>>
      %dma_wait3A_169 = arith.constant 0 : i32
      %dma_wait3A_170 = tpu.memref_slice %arg5[%add3A_163, %dma_wait3A_169] : memref<200x128xi32, #tpu.memory_space<vmem>> -> memref<1x128xi32, #tpu.memory_space<vmem>>
      %dma_wait3A_171 = tpu.memref_squeeze %dma_wait3A_170 : memref<1x128xi32, #tpu.memory_space<vmem>> -> memref<128xi32, #tpu.memory_space<vmem>>
      %dma_wait3A_172 = arith.constant 0 : i32
      %dma_wait3A_173 = arith.constant 0 : i32
      %dma_wait3A_174 = tpu.memref_slice %arg3[%dma_wait3A_172, %dma_wait3A_173] : memref<1000000x64xf32, #tpu.memory_space<hbm>> -> memref<1000000x64xf32, #tpu.memory_space<hbm>>
      %dma_wait3A_175 = tpu.memref_slice %arg7[%dma_wait3A_164] : memref<10x!tpu.dma_semaphore, #tpu.memory_space<semaphore_mem>> -> memref<1x!tpu.dma_semaphore, #tpu.memory_space<semaphore_mem>>
      %dma_wait3A_176 = tpu.memref_squeeze %dma_wait3A_175 : memref<1x!tpu.dma_semaphore, #tpu.memory_space<semaphore_mem>> -> memref<!tpu.dma_semaphore, #tpu.memory_space<semaphore_mem>>
      tpu.wait_indirect_dma semaphore(%dma_wait3A_176 : memref<!tpu.dma_semaphore, #tpu.memory_space<semaphore_mem>>) src(%dma_wait3A_174 : memref<1000000x64xf32, #tpu.memory_space<hbm>>) dst(%dma_wait3A_168 : memref<128x64xf32, #tpu.memory_space<vmem>>)
      %mul3A_177 = arith.constant 128 : i32
      %mul3A_178 = arith.muli %add3A_163, %mul3A_177 : i32
      %add3A_179 = arith.addi %mul3A_2, %mul3A_178 : i32
      %run_scoped3A = arith.constant 0 : i32
      "tpu.region"() ({
        %run_scoped3A_445 = tpu.sem_alloc : memref<!tpu.dma_semaphore, #tpu.memory_space<semaphore_mem>>
        %dma_start3A_446 = arith.constant 0 : i32
        %dma_start3A_447 = arith.constant 0 : i32
        %dma_start3A_448 = tpu.memref_slice %arg6[%run_scoped3A, %dma_start3A_446, %dma_start3A_447] : memref<10x128x64xf32, #tpu.memory_space<vmem>> -> memref<1x128x64xf32, #tpu.memory_space<vmem>>
        %dma_start3A_449 = tpu.memref_squeeze %dma_start3A_448 : memref<1x128x64xf32, #tpu.memory_space<vmem>> -> memref<128x64xf32, #tpu.memory_space<vmem>>
        %dma_start3A_450 = arith.constant 0 : i32
        %dma_start3A_451 = tpu.memref_slice %arg4[%add3A_179, %dma_start3A_450] : memref<819200x128xf32, #tpu.memory_space<hbm>> -> memref<128x64xf32, #tpu.memory_space<hbm>>
        %dma_start3A_452 = arith.constant 0 : i32
        %dma_start3A_453 = tpu.memref_slice %arg4[%add3A_179, %dma_start3A_452] : memref<819200x128xf32, #tpu.memory_space<hbm>> -> memref<128x64xf32, #tpu.memory_space<hbm>>
        %dma_start3A_454 = arith.constant 0 : i32
        %dma_start3A_455 = arith.constant 0 : i32
        %dma_start3A_456 = tpu.memref_slice %arg6[%run_scoped3A, %dma_start3A_454, %dma_start3A_455] : memref<10x128x64xf32, #tpu.memory_space<vmem>> -> memref<1x128x64xf32, #tpu.memory_space<vmem>>
        %dma_start3A_457 = tpu.memref_squeeze %dma_start3A_456 : memref<1x128x64xf32, #tpu.memory_space<vmem>> -> memref<128x64xf32, #tpu.memory_space<vmem>>
        tpu.enqueue_dma source(%dma_start3A_457 : memref<128x64xf32, #tpu.memory_space<vmem>>) target(%dma_start3A_453 : memref<128x64xf32, #tpu.memory_space<hbm>>) target_semaphore(%run_scoped3A_445 : memref<!tpu.dma_semaphore, #tpu.memory_space<semaphore_mem>>)
        %dma_wait3A_458 = arith.constant 0 : i32
        %dma_wait3A_459 = arith.constant 0 : i32
        %dma_wait3A_460 = tpu.memref_slice %arg6[%run_scoped3A, %dma_wait3A_458, %dma_wait3A_459] : memref<10x128x64xf32, #tpu.memory_space<vmem>> -> memref<1x128x64xf32, #tpu.memory_space<vmem>>
        %dma_wait3A_461 = tpu.memref_squeeze %dma_wait3A_460 : memref<1x128x64xf32, #tpu.memory_space<vmem>> -> memref<128x64xf32, #tpu.memory_space<vmem>>
        %dma_wait3A_462 = arith.constant 0 : i32
        %dma_wait3A_463 = tpu.memref_slice %arg4[%add3A_179, %dma_wait3A_462] : memref<819200x128xf32, #tpu.memory_space<hbm>> -> memref<128x64xf32, #tpu.memory_space<hbm>>
        %dma_wait3A_464 = arith.constant 0 : i32
        %dma_wait3A_465 = tpu.memref_slice %arg4[%add3A_179, %dma_wait3A_464] : memref<819200x128xf32, #tpu.memory_space<hbm>> -> memref<128x64xf32, #tpu.memory_space<hbm>>
        %dma_wait3A_466 = arith.constant 0 : i32
        %dma_wait3A_467 = arith.constant 0 : i32
        %dma_wait3A_468 = tpu.memref_slice %arg6[%run_scoped3A, %dma_wait3A_466, %dma_wait3A_467] : memref<10x128x64xf32, #tpu.memory_space<vmem>> -> memref<1x128x64xf32, #tpu.memory_space<vmem>>
        %dma_wait3A_469 = tpu.memref_squeeze %dma_wait3A_468 : memref<1x128x64xf32, #tpu.memory_space<vmem>> -> memref<128x64xf32, #tpu.memory_space<vmem>>
        tpu.wait_dma2 semaphore(%run_scoped3A_445 : memref<!tpu.dma_semaphore, #tpu.memory_space<semaphore_mem>>) src(%dma_wait3A_469 : memref<128x64xf32, #tpu.memory_space<vmem>>) dst(%dma_wait3A_465 : memref<128x64xf32, #tpu.memory_space<hbm>>)
        tpu.yield
      }) : () -> ()
      %add3A_180 = arith.constant 10 : i32
      %add3A_181 = arith.addi %add3A_163, %add3A_180 : i32
      %lt3A = arith.constant 200 : i32
      %lt3A_182 = arith.cmpi slt, %add3A_181, %lt3A : i32
      %convert_element_type3A = arith.extui %lt3A_182 : i1 to i32
      %cond3A = arith.constant 0 : i32
      %cond3A_183 = arith.cmpi ne, %convert_element_type3A, %cond3A : i32
      scf.if %cond3A_183 {
        %dma_start3A_445 = arith.constant 0 : i32
        %dma_start3A_446 = arith.constant 0 : i32
        %dma_start3A_447 = arith.constant 0 : i32
        %dma_start3A_448 = arith.constant 0 : i32
        %dma_start3A_449 = tpu.memref_slice %arg6[%dma_start3A_445, %dma_start3A_447, %dma_start3A_448] : memref<10x128x64xf32, #tpu.memory_space<vmem>> -> memref<1x128x64xf32, #tpu.memory_space<vmem>>
        %dma_start3A_450 = tpu.memref_squeeze %dma_start3A_449 : memref<1x128x64xf32, #tpu.memory_space<vmem>> -> memref<128x64xf32, #tpu.memory_space<vmem>>
        %dma_start3A_451 = arith.constant 0 : i32
        %dma_start3A_452 = tpu.memref_slice %arg5[%add3A_181, %dma_start3A_451] : memref<200x128xi32, #tpu.memory_space<vmem>> -> memref<1x128xi32, #tpu.memory_space<vmem>>
        %dma_start3A_453 = tpu.memref_squeeze %dma_start3A_452 : memref<1x128xi32, #tpu.memory_space<vmem>> -> memref<128xi32, #tpu.memory_space<vmem>>
        %dma_start3A_454 = arith.constant 0 : i32
        %dma_start3A_455 = arith.constant 0 : i32
        %dma_start3A_456 = tpu.memref_slice %arg3[%dma_start3A_454, %dma_start3A_455] : memref<1000000x64xf32, #tpu.memory_space<hbm>> -> memref<1000000x64xf32, #tpu.memory_space<hbm>>
        %dma_start3A_457 = tpu.memref_slice %arg7[%dma_start3A_446] : memref<10x!tpu.dma_semaphore, #tpu.memory_space<semaphore_mem>> -> memref<1x!tpu.dma_semaphore, #tpu.memory_space<semaphore_mem>>
        %dma_start3A_458 = tpu.memref_squeeze %dma_start3A_457 : memref<1x!tpu.dma_semaphore, #tpu.memory_space<semaphore_mem>> -> memref<!tpu.dma_semaphore, #tpu.memory_space<semaphore_mem>>
        tpu.enqueue_indirect_dma source(%dma_start3A_456 : memref<1000000x64xf32, #tpu.memory_space<hbm>>) target(%dma_start3A_450 : memref<128x64xf32, #tpu.memory_space<vmem>>) offsets(%dma_start3A_453 : memref<128xi32, #tpu.memory_space<vmem>>) semaphore(%dma_start3A_458 : memref<!tpu.dma_semaphore, #tpu.memory_space<semaphore_mem>>)
      } else {
      }
      %mul3A_184 = arith.constant 10 : i32
      %mul3A_185 = arith.muli %scan3A_159, %mul3A_184 : i32
      %add3A_186 = arith.constant 1 : i32
      %add3A_187 = arith.addi %mul3A_185, %add3A_186 : i32
      %dma_wait3A_188 = arith.constant 1 : i32
      %dma_wait3A_189 = arith.constant 1 : i32
      %dma_wait3A_190 = arith.constant 0 : i32
      %dma_wait3A_191 = arith.constant 0 : i32
      %dma_wait3A_192 = tpu.memref_slice %arg6[%dma_wait3A_188, %dma_wait3A_190, %dma_wait3A_191] : memref<10x128x64xf32, #tpu.memory_space<vmem>> -> memref<1x128x64xf32, #tpu.memory_space<vmem>>
      %dma_wait3A_193 = tpu.memref_squeeze %dma_wait3A_192 : memref<1x128x64xf32, #tpu.memory_space<vmem>> -> memref<128x64xf32, #tpu.memory_space<vmem>>
      %dma_wait3A_194 = arith.constant 0 : i32
      %dma_wait3A_195 = tpu.memref_slice %arg5[%add3A_187, %dma_wait3A_194] : memref<200x128xi32, #tpu.memory_space<vmem>> -> memref<1x128xi32, #tpu.memory_space<vmem>>
      %dma_wait3A_196 = tpu.memref_squeeze %dma_wait3A_195 : memref<1x128xi32, #tpu.memory_space<vmem>> -> memref<128xi32, #tpu.memory_space<vmem>>
      %dma_wait3A_197 = arith.constant 0 : i32
      %dma_wait3A_198 = arith.constant 0 : i32
      %dma_wait3A_199 = tpu.memref_slice %arg3[%dma_wait3A_197, %dma_wait3A_198] : memref<1000000x64xf32, #tpu.memory_space<hbm>> -> memref<1000000x64xf32, #tpu.memory_space<hbm>>
      %dma_wait3A_200 = tpu.memref_slice %arg7[%dma_wait3A_189] : memref<10x!tpu.dma_semaphore, #tpu.memory_space<semaphore_mem>> -> memref<1x!tpu.dma_semaphore, #tpu.memory_space<semaphore_mem>>
      %dma_wait3A_201 = tpu.memref_squeeze %dma_wait3A_200 : memref<1x!tpu.dma_semaphore, #tpu.memory_space<semaphore_mem>> -> memref<!tpu.dma_semaphore, #tpu.memory_space<semaphore_mem>>
      tpu.wait_indirect_dma semaphore(%dma_wait3A_201 : memref<!tpu.dma_semaphore, #tpu.memory_space<semaphore_mem>>) src(%dma_wait3A_199 : memref<1000000x64xf32, #tpu.memory_space<hbm>>) dst(%dma_wait3A_193 : memref<128x64xf32, #tpu.memory_space<vmem>>)
      %mul3A_202 = arith.constant 128 : i32
      %mul3A_203 = arith.muli %add3A_187, %mul3A_202 : i32
      %add3A_204 = arith.addi %mul3A_2, %mul3A_203 : i32
      %run_scoped3A_205 = arith.constant 1 : i32
      "tpu.region"() ({
        %run_scoped3A_445 = tpu.sem_alloc : memref<!tpu.dma_semaphore, #tpu.memory_space<semaphore_mem>>
        %dma_start3A_446 = arith.constant 0 : i32
        %dma_start3A_447 = arith.constant 0 : i32
        %dma_start3A_448 = tpu.memref_slice %arg6[%run_scoped3A_205, %dma_start3A_446, %dma_start3A_447] : memref<10x128x64xf32, #tpu.memory_space<vmem>> -> memref<1x128x64xf32, #tpu.memory_space<vmem>>
        %dma_start3A_449 = tpu.memref_squeeze %dma_start3A_448 : memref<1x128x64xf32, #tpu.memory_space<vmem>> -> memref<128x64xf32, #tpu.memory_space<vmem>>
        %dma_start3A_450 = arith.constant 0 : i32
        %dma_start3A_451 = tpu.memref_slice %arg4[%add3A_204, %dma_start3A_450] : memref<819200x128xf32, #tpu.memory_space<hbm>> -> memref<128x64xf32, #tpu.memory_space<hbm>>
        %dma_start3A_452 = arith.constant 0 : i32
        %dma_start3A_453 = tpu.memref_slice %arg4[%add3A_204, %dma_start3A_452] : memref<819200x128xf32, #tpu.memory_space<hbm>> -> memref<128x64xf32, #tpu.memory_space<hbm>>
        %dma_start3A_454 = arith.constant 0 : i32
        %dma_start3A_455 = arith.constant 0 : i32
        %dma_start3A_456 = tpu.memref_slice %arg6[%run_scoped3A_205, %dma_start3A_454, %dma_start3A_455] : memref<10x128x64xf32, #tpu.memory_space<vmem>> -> memref<1x128x64xf32, #tpu.memory_space<vmem>>
        %dma_start3A_457 = tpu.memref_squeeze %dma_start3A_456 : memref<1x128x64xf32, #tpu.memory_space<vmem>> -> memref<128x64xf32, #tpu.memory_space<vmem>>
        tpu.enqueue_dma source(%dma_start3A_457 : memref<128x64xf32, #tpu.memory_space<vmem>>) target(%dma_start3A_453 : memref<128x64xf32, #tpu.memory_space<hbm>>) target_semaphore(%run_scoped3A_445 : memref<!tpu.dma_semaphore, #tpu.memory_space<semaphore_mem>>)
        %dma_wait3A_458 = arith.constant 0 : i32
        %dma_wait3A_459 = arith.constant 0 : i32
        %dma_wait3A_460 = tpu.memref_slice %arg6[%run_scoped3A_205, %dma_wait3A_458, %dma_wait3A_459] : memref<10x128x64xf32, #tpu.memory_space<vmem>> -> memref<1x128x64xf32, #tpu.memory_space<vmem>>
        %dma_wait3A_461 = tpu.memref_squeeze %dma_wait3A_460 : memref<1x128x64xf32, #tpu.memory_space<vmem>> -> memref<128x64xf32, #tpu.memory_space<vmem>>
        %dma_wait3A_462 = arith.constant 0 : i32
        %dma_wait3A_463 = tpu.memref_slice %arg4[%add3A_204, %dma_wait3A_462] : memref<819200x128xf32, #tpu.memory_space<hbm>> -> memref<128x64xf32, #tpu.memory_space<hbm>>
        %dma_wait3A_464 = arith.constant 0 : i32
        %dma_wait3A_465 = tpu.memref_slice %arg4[%add3A_204, %dma_wait3A_464] : memref<819200x128xf32, #tpu.memory_space<hbm>> -> memref<128x64xf32, #tpu.memory_space<hbm>>
        %dma_wait3A_466 = arith.constant 0 : i32
        %dma_wait3A_467 = arith.constant 0 : i32
        %dma_wait3A_468 = tpu.memref_slice %arg6[%run_scoped3A_205, %dma_wait3A_466, %dma_wait3A_467] : memref<10x128x64xf32, #tpu.memory_space<vmem>> -> memref<1x128x64xf32, #tpu.memory_space<vmem>>
        %dma_wait3A_469 = tpu.memref_squeeze %dma_wait3A_468 : memref<1x128x64xf32, #tpu.memory_space<vmem>> -> memref<128x64xf32, #tpu.memory_space<vmem>>
        tpu.wait_dma2 semaphore(%run_scoped3A_445 : memref<!tpu.dma_semaphore, #tpu.memory_space<semaphore_mem>>) src(%dma_wait3A_469 : memref<128x64xf32, #tpu.memory_space<vmem>>) dst(%dma_wait3A_465 : memref<128x64xf32, #tpu.memory_space<hbm>>)
        tpu.yield
      }) : () -> ()
      %add3A_206 = arith.constant 10 : i32
      %add3A_207 = arith.addi %add3A_187, %add3A_206 : i32
      %lt3A_208 = arith.constant 200 : i32
      %lt3A_209 = arith.cmpi slt, %add3A_207, %lt3A_208 : i32
      %convert_element_type3A_210 = arith.extui %lt3A_209 : i1 to i32
      %cond3A_211 = arith.constant 0 : i32
      %cond3A_212 = arith.cmpi ne, %convert_element_type3A_210, %cond3A_211 : i32
      scf.if %cond3A_212 {
        %dma_start3A_445 = arith.constant 1 : i32
        %dma_start3A_446 = arith.constant 1 : i32
        %dma_start3A_447 = arith.constant 0 : i32
        %dma_start3A_448 = arith.constant 0 : i32
        %dma_start3A_449 = tpu.memref_slice %arg6[%dma_start3A_445, %dma_start3A_447, %dma_start3A_448] : memref<10x128x64xf32, #tpu.memory_space<vmem>> -> memref<1x128x64xf32, #tpu.memory_space<vmem>>
        %dma_start3A_450 = tpu.memref_squeeze %dma_start3A_449 : memref<1x128x64xf32, #tpu.memory_space<vmem>> -> memref<128x64xf32, #tpu.memory_space<vmem>>
        %dma_start3A_451 = arith.constant 0 : i32
        %dma_start3A_452 = tpu.memref_slice %arg5[%add3A_207, %dma_start3A_451] : memref<200x128xi32, #tpu.memory_space<vmem>> -> memref<1x128xi32, #tpu.memory_space<vmem>>
        %dma_start3A_453 = tpu.memref_squeeze %dma_start3A_452 : memref<1x128xi32, #tpu.memory_space<vmem>> -> memref<128xi32, #tpu.memory_space<vmem>>
        %dma_start3A_454 = arith.constant 0 : i32
        %dma_start3A_455 = arith.constant 0 : i32
        %dma_start3A_456 = tpu.memref_slice %arg3[%dma_start3A_454, %dma_start3A_455] : memref<1000000x64xf32, #tpu.memory_space<hbm>> -> memref<1000000x64xf32, #tpu.memory_space<hbm>>
        %dma_start3A_457 = tpu.memref_slice %arg7[%dma_start3A_446] : memref<10x!tpu.dma_semaphore, #tpu.memory_space<semaphore_mem>> -> memref<1x!tpu.dma_semaphore, #tpu.memory_space<semaphore_mem>>
        %dma_start3A_458 = tpu.memref_squeeze %dma_start3A_457 : memref<1x!tpu.dma_semaphore, #tpu.memory_space<semaphore_mem>> -> memref<!tpu.dma_semaphore, #tpu.memory_space<semaphore_mem>>
        tpu.enqueue_indirect_dma source(%dma_start3A_456 : memref<1000000x64xf32, #tpu.memory_space<hbm>>) target(%dma_start3A_450 : memref<128x64xf32, #tpu.memory_space<vmem>>) offsets(%dma_start3A_453 : memref<128xi32, #tpu.memory_space<vmem>>) semaphore(%dma_start3A_458 : memref<!tpu.dma_semaphore, #tpu.memory_space<semaphore_mem>>)
      } else {
      }
      %mul3A_213 = arith.constant 10 : i32
      %mul3A_214 = arith.muli %scan3A_159, %mul3A_213 : i32
      %add3A_215 = arith.constant 2 : i32
      %add3A_216 = arith.addi %mul3A_214, %add3A_215 : i32
      %dma_wait3A_217 = arith.constant 2 : i32
      %dma_wait3A_218 = arith.constant 2 : i32
      %dma_wait3A_219 = arith.constant 0 : i32
      %dma_wait3A_220 = arith.constant 0 : i32
      %dma_wait3A_221 = tpu.memref_slice %arg6[%dma_wait3A_217, %dma_wait3A_219, %dma_wait3A_220] : memref<10x128x64xf32, #tpu.memory_space<vmem>> -> memref<1x128x64xf32, #tpu.memory_space<vmem>>
      %dma_wait3A_222 = tpu.memref_squeeze %dma_wait3A_221 : memref<1x128x64xf32, #tpu.memory_space<vmem>> -> memref<128x64xf32, #tpu.memory_space<vmem>>
      %dma_wait3A_223 = arith.constant 0 : i32
      %dma_wait3A_224 = tpu.memref_slice %arg5[%add3A_216, %dma_wait3A_223] : memref<200x128xi32, #tpu.memory_space<vmem>> -> memref<1x128xi32, #tpu.memory_space<vmem>>
      %dma_wait3A_225 = tpu.memref_squeeze %dma_wait3A_224 : memref<1x128xi32, #tpu.memory_space<vmem>> -> memref<128xi32, #tpu.memory_space<vmem>>
      %dma_wait3A_226 = arith.constant 0 : i32
      %dma_wait3A_227 = arith.constant 0 : i32
      %dma_wait3A_228 = tpu.memref_slice %arg3[%dma_wait3A_226, %dma_wait3A_227] : memref<1000000x64xf32, #tpu.memory_space<hbm>> -> memref<1000000x64xf32, #tpu.memory_space<hbm>>
      %dma_wait3A_229 = tpu.memref_slice %arg7[%dma_wait3A_218] : memref<10x!tpu.dma_semaphore, #tpu.memory_space<semaphore_mem>> -> memref<1x!tpu.dma_semaphore, #tpu.memory_space<semaphore_mem>>
      %dma_wait3A_230 = tpu.memref_squeeze %dma_wait3A_229 : memref<1x!tpu.dma_semaphore, #tpu.memory_space<semaphore_mem>> -> memref<!tpu.dma_semaphore, #tpu.memory_space<semaphore_mem>>
      tpu.wait_indirect_dma semaphore(%dma_wait3A_230 : memref<!tpu.dma_semaphore, #tpu.memory_space<semaphore_mem>>) src(%dma_wait3A_228 : memref<1000000x64xf32, #tpu.memory_space<hbm>>) dst(%dma_wait3A_222 : memref<128x64xf32, #tpu.memory_space<vmem>>)
      %mul3A_231 = arith.constant 128 : i32
      %mul3A_232 = arith.muli %add3A_216, %mul3A_231 : i32
      %add3A_233 = arith.addi %mul3A_2, %mul3A_232 : i32
      %run_scoped3A_234 = arith.constant 2 : i32
      "tpu.region"() ({
        %run_scoped3A_445 = tpu.sem_alloc : memref<!tpu.dma_semaphore, #tpu.memory_space<semaphore_mem>>
        %dma_start3A_446 = arith.constant 0 : i32
        %dma_start3A_447 = arith.constant 0 : i32
        %dma_start3A_448 = tpu.memref_slice %arg6[%run_scoped3A_234, %dma_start3A_446, %dma_start3A_447] : memref<10x128x64xf32, #tpu.memory_space<vmem>> -> memref<1x128x64xf32, #tpu.memory_space<vmem>>
        %dma_start3A_449 = tpu.memref_squeeze %dma_start3A_448 : memref<1x128x64xf32, #tpu.memory_space<vmem>> -> memref<128x64xf32, #tpu.memory_space<vmem>>
        %dma_start3A_450 = arith.constant 0 : i32
        %dma_start3A_451 = tpu.memref_slice %arg4[%add3A_233, %dma_start3A_450] : memref<819200x128xf32, #tpu.memory_space<hbm>> -> memref<128x64xf32, #tpu.memory_space<hbm>>
        %dma_start3A_452 = arith.constant 0 : i32
        %dma_start3A_453 = tpu.memref_slice %arg4[%add3A_233, %dma_start3A_452] : memref<819200x128xf32, #tpu.memory_space<hbm>> -> memref<128x64xf32, #tpu.memory_space<hbm>>
        %dma_start3A_454 = arith.constant 0 : i32
        %dma_start3A_455 = arith.constant 0 : i32
        %dma_start3A_456 = tpu.memref_slice %arg6[%run_scoped3A_234, %dma_start3A_454, %dma_start3A_455] : memref<10x128x64xf32, #tpu.memory_space<vmem>> -> memref<1x128x64xf32, #tpu.memory_space<vmem>>
        %dma_start3A_457 = tpu.memref_squeeze %dma_start3A_456 : memref<1x128x64xf32, #tpu.memory_space<vmem>> -> memref<128x64xf32, #tpu.memory_space<vmem>>
        tpu.enqueue_dma source(%dma_start3A_457 : memref<128x64xf32, #tpu.memory_space<vmem>>) target(%dma_start3A_453 : memref<128x64xf32, #tpu.memory_space<hbm>>) target_semaphore(%run_scoped3A_445 : memref<!tpu.dma_semaphore, #tpu.memory_space<semaphore_mem>>)
        %dma_wait3A_458 = arith.constant 0 : i32
        %dma_wait3A_459 = arith.constant 0 : i32
        %dma_wait3A_460 = tpu.memref_slice %arg6[%run_scoped3A_234, %dma_wait3A_458, %dma_wait3A_459] : memref<10x128x64xf32, #tpu.memory_space<vmem>> -> memref<1x128x64xf32, #tpu.memory_space<vmem>>
        %dma_wait3A_461 = tpu.memref_squeeze %dma_wait3A_460 : memref<1x128x64xf32, #tpu.memory_space<vmem>> -> memref<128x64xf32, #tpu.memory_space<vmem>>
        %dma_wait3A_462 = arith.constant 0 : i32
        %dma_wait3A_463 = tpu.memref_slice %arg4[%add3A_233, %dma_wait3A_462] : memref<819200x128xf32, #tpu.memory_space<hbm>> -> memref<128x64xf32, #tpu.memory_space<hbm>>
        %dma_wait3A_464 = arith.constant 0 : i32
        %dma_wait3A_465 = tpu.memref_slice %arg4[%add3A_233, %dma_wait3A_464] : memref<819200x128xf32, #tpu.memory_space<hbm>> -> memref<128x64xf32, #tpu.memory_space<hbm>>
        %dma_wait3A_466 = arith.constant 0 : i32
        %dma_wait3A_467 = arith.constant 0 : i32
        %dma_wait3A_468 = tpu.memref_slice %arg6[%run_scoped3A_234, %dma_wait3A_466, %dma_wait3A_467] : memref<10x128x64xf32, #tpu.memory_space<vmem>> -> memref<1x128x64xf32, #tpu.memory_space<vmem>>
        %dma_wait3A_469 = tpu.memref_squeeze %dma_wait3A_468 : memref<1x128x64xf32, #tpu.memory_space<vmem>> -> memref<128x64xf32, #tpu.memory_space<vmem>>
        tpu.wait_dma2 semaphore(%run_scoped3A_445 : memref<!tpu.dma_semaphore, #tpu.memory_space<semaphore_mem>>) src(%dma_wait3A_469 : memref<128x64xf32, #tpu.memory_space<vmem>>) dst(%dma_wait3A_465 : memref<128x64xf32, #tpu.memory_space<hbm>>)
        tpu.yield
      }) : () -> ()
      %add3A_235 = arith.constant 10 : i32
      %add3A_236 = arith.addi %add3A_216, %add3A_235 : i32
      %lt3A_237 = arith.constant 200 : i32
      %lt3A_238 = arith.cmpi slt, %add3A_236, %lt3A_237 : i32
      %convert_element_type3A_239 = arith.extui %lt3A_238 : i1 to i32
      %cond3A_240 = arith.constant 0 : i32
      %cond3A_241 = arith.cmpi ne, %convert_element_type3A_239, %cond3A_240 : i32
      scf.if %cond3A_241 {
        %dma_start3A_445 = arith.constant 2 : i32
        %dma_start3A_446 = arith.constant 2 : i32
        %dma_start3A_447 = arith.constant 0 : i32
        %dma_start3A_448 = arith.constant 0 : i32
        %dma_start3A_449 = tpu.memref_slice %arg6[%dma_start3A_445, %dma_start3A_447, %dma_start3A_448] : memref<10x128x64xf32, #tpu.memory_space<vmem>> -> memref<1x128x64xf32, #tpu.memory_space<vmem>>
        %dma_start3A_450 = tpu.memref_squeeze %dma_start3A_449 : memref<1x128x64xf32, #tpu.memory_space<vmem>> -> memref<128x64xf32, #tpu.memory_space<vmem>>
        %dma_start3A_451 = arith.constant 0 : i32
        %dma_start3A_452 = tpu.memref_slice %arg5[%add3A_236, %dma_start3A_451] : memref<200x128xi32, #tpu.memory_space<vmem>> -> memref<1x128xi32, #tpu.memory_space<vmem>>
        %dma_start3A_453 = tpu.memref_squeeze %dma_start3A_452 : memref<1x128xi32, #tpu.memory_space<vmem>> -> memref<128xi32, #tpu.memory_space<vmem>>
        %dma_start3A_454 = arith.constant 0 : i32
        %dma_start3A_455 = arith.constant 0 : i32
        %dma_start3A_456 = tpu.memref_slice %arg3[%dma_start3A_454, %dma_start3A_455] : memref<1000000x64xf32, #tpu.memory_space<hbm>> -> memref<1000000x64xf32, #tpu.memory_space<hbm>>
        %dma_start3A_457 = tpu.memref_slice %arg7[%dma_start3A_446] : memref<10x!tpu.dma_semaphore, #tpu.memory_space<semaphore_mem>> -> memref<1x!tpu.dma_semaphore, #tpu.memory_space<semaphore_mem>>
        %dma_start3A_458 = tpu.memref_squeeze %dma_start3A_457 : memref<1x!tpu.dma_semaphore, #tpu.memory_space<semaphore_mem>> -> memref<!tpu.dma_semaphore, #tpu.memory_space<semaphore_mem>>
        tpu.enqueue_indirect_dma source(%dma_start3A_456 : memref<1000000x64xf32, #tpu.memory_space<hbm>>) target(%dma_start3A_450 : memref<128x64xf32, #tpu.memory_space<vmem>>) offsets(%dma_start3A_453 : memref<128xi32, #tpu.memory_space<vmem>>) semaphore(%dma_start3A_458 : memref<!tpu.dma_semaphore, #tpu.memory_space<semaphore_mem>>)
      } else {
      }
      %mul3A_242 = arith.constant 10 : i32
      %mul3A_243 = arith.muli %scan3A_159, %mul3A_242 : i32
      %add3A_244 = arith.constant 3 : i32
      %add3A_245 = arith.addi %mul3A_243, %add3A_244 : i32
      %dma_wait3A_246 = arith.constant 3 : i32
      %dma_wait3A_247 = arith.constant 3 : i32
      %dma_wait3A_248 = arith.constant 0 : i32
      %dma_wait3A_249 = arith.constant 0 : i32
      %dma_wait3A_250 = tpu.memref_slice %arg6[%dma_wait3A_246, %dma_wait3A_248, %dma_wait3A_249] : memref<10x128x64xf32, #tpu.memory_space<vmem>> -> memref<1x128x64xf32, #tpu.memory_space<vmem>>
      %dma_wait3A_251 = tpu.memref_squeeze %dma_wait3A_250 : memref<1x128x64xf32, #tpu.memory_space<vmem>> -> memref<128x64xf32, #tpu.memory_space<vmem>>
      %dma_wait3A_252 = arith.constant 0 : i32
      %dma_wait3A_253 = tpu.memref_slice %arg5[%add3A_245, %dma_wait3A_252] : memref<200x128xi32, #tpu.memory_space<vmem>> -> memref<1x128xi32, #tpu.memory_space<vmem>>
      %dma_wait3A_254 = tpu.memref_squeeze %dma_wait3A_253 : memref<1x128xi32, #tpu.memory_space<vmem>> -> memref<128xi32, #tpu.memory_space<vmem>>
      %dma_wait3A_255 = arith.constant 0 : i32
      %dma_wait3A_256 = arith.constant 0 : i32
      %dma_wait3A_257 = tpu.memref_slice %arg3[%dma_wait3A_255, %dma_wait3A_256] : memref<1000000x64xf32, #tpu.memory_space<hbm>> -> memref<1000000x64xf32, #tpu.memory_space<hbm>>
      %dma_wait3A_258 = tpu.memref_slice %arg7[%dma_wait3A_247] : memref<10x!tpu.dma_semaphore, #tpu.memory_space<semaphore_mem>> -> memref<1x!tpu.dma_semaphore, #tpu.memory_space<semaphore_mem>>
      %dma_wait3A_259 = tpu.memref_squeeze %dma_wait3A_258 : memref<1x!tpu.dma_semaphore, #tpu.memory_space<semaphore_mem>> -> memref<!tpu.dma_semaphore, #tpu.memory_space<semaphore_mem>>
      tpu.wait_indirect_dma semaphore(%dma_wait3A_259 : memref<!tpu.dma_semaphore, #tpu.memory_space<semaphore_mem>>) src(%dma_wait3A_257 : memref<1000000x64xf32, #tpu.memory_space<hbm>>) dst(%dma_wait3A_251 : memref<128x64xf32, #tpu.memory_space<vmem>>)
      %mul3A_260 = arith.constant 128 : i32
      %mul3A_261 = arith.muli %add3A_245, %mul3A_260 : i32
      %add3A_262 = arith.addi %mul3A_2, %mul3A_261 : i32
      %run_scoped3A_263 = arith.constant 3 : i32
      "tpu.region"() ({
        %run_scoped3A_445 = tpu.sem_alloc : memref<!tpu.dma_semaphore, #tpu.memory_space<semaphore_mem>>
        %dma_start3A_446 = arith.constant 0 : i32
        %dma_start3A_447 = arith.constant 0 : i32
        %dma_start3A_448 = tpu.memref_slice %arg6[%run_scoped3A_263, %dma_start3A_446, %dma_start3A_447] : memref<10x128x64xf32, #tpu.memory_space<vmem>> -> memref<1x128x64xf32, #tpu.memory_space<vmem>>
        %dma_start3A_449 = tpu.memref_squeeze %dma_start3A_448 : memref<1x128x64xf32, #tpu.memory_space<vmem>> -> memref<128x64xf32, #tpu.memory_space<vmem>>
        %dma_start3A_450 = arith.constant 0 : i32
        %dma_start3A_451 = tpu.memref_slice %arg4[%add3A_262, %dma_start3A_450] : memref<819200x128xf32, #tpu.memory_space<hbm>> -> memref<128x64xf32, #tpu.memory_space<hbm>>
        %dma_start3A_452 = arith.constant 0 : i32
        %dma_start3A_453 = tpu.memref_slice %arg4[%add3A_262, %dma_start3A_452] : memref<819200x128xf32, #tpu.memory_space<hbm>> -> memref<128x64xf32, #tpu.memory_space<hbm>>
        %dma_start3A_454 = arith.constant 0 : i32
        %dma_start3A_455 = arith.constant 0 : i32
        %dma_start3A_456 = tpu.memref_slice %arg6[%run_scoped3A_263, %dma_start3A_454, %dma_start3A_455] : memref<10x128x64xf32, #tpu.memory_space<vmem>> -> memref<1x128x64xf32, #tpu.memory_space<vmem>>
        %dma_start3A_457 = tpu.memref_squeeze %dma_start3A_456 : memref<1x128x64xf32, #tpu.memory_space<vmem>> -> memref<128x64xf32, #tpu.memory_space<vmem>>
        tpu.enqueue_dma source(%dma_start3A_457 : memref<128x64xf32, #tpu.memory_space<vmem>>) target(%dma_start3A_453 : memref<128x64xf32, #tpu.memory_space<hbm>>) target_semaphore(%run_scoped3A_445 : memref<!tpu.dma_semaphore, #tpu.memory_space<semaphore_mem>>)
        %dma_wait3A_458 = arith.constant 0 : i32
        %dma_wait3A_459 = arith.constant 0 : i32
        %dma_wait3A_460 = tpu.memref_slice %arg6[%run_scoped3A_263, %dma_wait3A_458, %dma_wait3A_459] : memref<10x128x64xf32, #tpu.memory_space<vmem>> -> memref<1x128x64xf32, #tpu.memory_space<vmem>>
        %dma_wait3A_461 = tpu.memref_squeeze %dma_wait3A_460 : memref<1x128x64xf32, #tpu.memory_space<vmem>> -> memref<128x64xf32, #tpu.memory_space<vmem>>
        %dma_wait3A_462 = arith.constant 0 : i32
        %dma_wait3A_463 = tpu.memref_slice %arg4[%add3A_262, %dma_wait3A_462] : memref<819200x128xf32, #tpu.memory_space<hbm>> -> memref<128x64xf32, #tpu.memory_space<hbm>>
        %dma_wait3A_464 = arith.constant 0 : i32
        %dma_wait3A_465 = tpu.memref_slice %arg4[%add3A_262, %dma_wait3A_464] : memref<819200x128xf32, #tpu.memory_space<hbm>> -> memref<128x64xf32, #tpu.memory_space<hbm>>
        %dma_wait3A_466 = arith.constant 0 : i32
        %dma_wait3A_467 = arith.constant 0 : i32
        %dma_wait3A_468 = tpu.memref_slice %arg6[%run_scoped3A_263, %dma_wait3A_466, %dma_wait3A_467] : memref<10x128x64xf32, #tpu.memory_space<vmem>> -> memref<1x128x64xf32, #tpu.memory_space<vmem>>
        %dma_wait3A_469 = tpu.memref_squeeze %dma_wait3A_468 : memref<1x128x64xf32, #tpu.memory_space<vmem>> -> memref<128x64xf32, #tpu.memory_space<vmem>>
        tpu.wait_dma2 semaphore(%run_scoped3A_445 : memref<!tpu.dma_semaphore, #tpu.memory_space<semaphore_mem>>) src(%dma_wait3A_469 : memref<128x64xf32, #tpu.memory_space<vmem>>) dst(%dma_wait3A_465 : memref<128x64xf32, #tpu.memory_space<hbm>>)
        tpu.yield
      }) : () -> ()
      %add3A_264 = arith.constant 10 : i32
      %add3A_265 = arith.addi %add3A_245, %add3A_264 : i32
      %lt3A_266 = arith.constant 200 : i32
      %lt3A_267 = arith.cmpi slt, %add3A_265, %lt3A_266 : i32
      %convert_element_type3A_268 = arith.extui %lt3A_267 : i1 to i32
      %cond3A_269 = arith.constant 0 : i32
      %cond3A_270 = arith.cmpi ne, %convert_element_type3A_268, %cond3A_269 : i32
      scf.if %cond3A_270 {
        %dma_start3A_445 = arith.constant 3 : i32
        %dma_start3A_446 = arith.constant 3 : i32
        %dma_start3A_447 = arith.constant 0 : i32
        %dma_start3A_448 = arith.constant 0 : i32
        %dma_start3A_449 = tpu.memref_slice %arg6[%dma_start3A_445, %dma_start3A_447, %dma_start3A_448] : memref<10x128x64xf32, #tpu.memory_space<vmem>> -> memref<1x128x64xf32, #tpu.memory_space<vmem>>
        %dma_start3A_450 = tpu.memref_squeeze %dma_start3A_449 : memref<1x128x64xf32, #tpu.memory_space<vmem>> -> memref<128x64xf32, #tpu.memory_space<vmem>>
        %dma_start3A_451 = arith.constant 0 : i32
        %dma_start3A_452 = tpu.memref_slice %arg5[%add3A_265, %dma_start3A_451] : memref<200x128xi32, #tpu.memory_space<vmem>> -> memref<1x128xi32, #tpu.memory_space<vmem>>
        %dma_start3A_453 = tpu.memref_squeeze %dma_start3A_452 : memref<1x128xi32, #tpu.memory_space<vmem>> -> memref<128xi32, #tpu.memory_space<vmem>>
        %dma_start3A_454 = arith.constant 0 : i32
        %dma_start3A_455 = arith.constant 0 : i32
        %dma_start3A_456 = tpu.memref_slice %arg3[%dma_start3A_454, %dma_start3A_455] : memref<1000000x64xf32, #tpu.memory_space<hbm>> -> memref<1000000x64xf32, #tpu.memory_space<hbm>>
        %dma_start3A_457 = tpu.memref_slice %arg7[%dma_start3A_446] : memref<10x!tpu.dma_semaphore, #tpu.memory_space<semaphore_mem>> -> memref<1x!tpu.dma_semaphore, #tpu.memory_space<semaphore_mem>>
        %dma_start3A_458 = tpu.memref_squeeze %dma_start3A_457 : memref<1x!tpu.dma_semaphore, #tpu.memory_space<semaphore_mem>> -> memref<!tpu.dma_semaphore, #tpu.memory_space<semaphore_mem>>
        tpu.enqueue_indirect_dma source(%dma_start3A_456 : memref<1000000x64xf32, #tpu.memory_space<hbm>>) target(%dma_start3A_450 : memref<128x64xf32, #tpu.memory_space<vmem>>) offsets(%dma_start3A_453 : memref<128xi32, #tpu.memory_space<vmem>>) semaphore(%dma_start3A_458 : memref<!tpu.dma_semaphore, #tpu.memory_space<semaphore_mem>>)
      } else {
      }
      %mul3A_271 = arith.constant 10 : i32
      %mul3A_272 = arith.muli %scan3A_159, %mul3A_271 : i32
      %add3A_273 = arith.constant 4 : i32
      %add3A_274 = arith.addi %mul3A_272, %add3A_273 : i32
      %dma_wait3A_275 = arith.constant 4 : i32
      %dma_wait3A_276 = arith.constant 4 : i32
      %dma_wait3A_277 = arith.constant 0 : i32
      %dma_wait3A_278 = arith.constant 0 : i32
      %dma_wait3A_279 = tpu.memref_slice %arg6[%dma_wait3A_275, %dma_wait3A_277, %dma_wait3A_278] : memref<10x128x64xf32, #tpu.memory_space<vmem>> -> memref<1x128x64xf32, #tpu.memory_space<vmem>>
      %dma_wait3A_280 = tpu.memref_squeeze %dma_wait3A_279 : memref<1x128x64xf32, #tpu.memory_space<vmem>> -> memref<128x64xf32, #tpu.memory_space<vmem>>
      %dma_wait3A_281 = arith.constant 0 : i32
      %dma_wait3A_282 = tpu.memref_slice %arg5[%add3A_274, %dma_wait3A_281] : memref<200x128xi32, #tpu.memory_space<vmem>> -> memref<1x128xi32, #tpu.memory_space<vmem>>
      %dma_wait3A_283 = tpu.memref_squeeze %dma_wait3A_282 : memref<1x128xi32, #tpu.memory_space<vmem>> -> memref<128xi32, #tpu.memory_space<vmem>>
      %dma_wait3A_284 = arith.constant 0 : i32
      %dma_wait3A_285 = arith.constant 0 : i32
      %dma_wait3A_286 = tpu.memref_slice %arg3[%dma_wait3A_284, %dma_wait3A_285] : memref<1000000x64xf32, #tpu.memory_space<hbm>> -> memref<1000000x64xf32, #tpu.memory_space<hbm>>
      %dma_wait3A_287 = tpu.memref_slice %arg7[%dma_wait3A_276] : memref<10x!tpu.dma_semaphore, #tpu.memory_space<semaphore_mem>> -> memref<1x!tpu.dma_semaphore, #tpu.memory_space<semaphore_mem>>
      %dma_wait3A_288 = tpu.memref_squeeze %dma_wait3A_287 : memref<1x!tpu.dma_semaphore, #tpu.memory_space<semaphore_mem>> -> memref<!tpu.dma_semaphore, #tpu.memory_space<semaphore_mem>>
      tpu.wait_indirect_dma semaphore(%dma_wait3A_288 : memref<!tpu.dma_semaphore, #tpu.memory_space<semaphore_mem>>) src(%dma_wait3A_286 : memref<1000000x64xf32, #tpu.memory_space<hbm>>) dst(%dma_wait3A_280 : memref<128x64xf32, #tpu.memory_space<vmem>>)
      %mul3A_289 = arith.constant 128 : i32
      %mul3A_290 = arith.muli %add3A_274, %mul3A_289 : i32
      %add3A_291 = arith.addi %mul3A_2, %mul3A_290 : i32
      %run_scoped3A_292 = arith.constant 4 : i32
      "tpu.region"() ({
        %run_scoped3A_445 = tpu.sem_alloc : memref<!tpu.dma_semaphore, #tpu.memory_space<semaphore_mem>>
        %dma_start3A_446 = arith.constant 0 : i32
        %dma_start3A_447 = arith.constant 0 : i32
        %dma_start3A_448 = tpu.memref_slice %arg6[%run_scoped3A_292, %dma_start3A_446, %dma_start3A_447] : memref<10x128x64xf32, #tpu.memory_space<vmem>> -> memref<1x128x64xf32, #tpu.memory_space<vmem>>
        %dma_start3A_449 = tpu.memref_squeeze %dma_start3A_448 : memref<1x128x64xf32, #tpu.memory_space<vmem>> -> memref<128x64xf32, #tpu.memory_space<vmem>>
        %dma_start3A_450 = arith.constant 0 : i32
        %dma_start3A_451 = tpu.memref_slice %arg4[%add3A_291, %dma_start3A_450] : memref<819200x128xf32, #tpu.memory_space<hbm>> -> memref<128x64xf32, #tpu.memory_space<hbm>>
        %dma_start3A_452 = arith.constant 0 : i32
        %dma_start3A_453 = tpu.memref_slice %arg4[%add3A_291, %dma_start3A_452] : memref<819200x128xf32, #tpu.memory_space<hbm>> -> memref<128x64xf32, #tpu.memory_space<hbm>>
        %dma_start3A_454 = arith.constant 0 : i32
        %dma_start3A_455 = arith.constant 0 : i32
        %dma_start3A_456 = tpu.memref_slice %arg6[%run_scoped3A_292, %dma_start3A_454, %dma_start3A_455] : memref<10x128x64xf32, #tpu.memory_space<vmem>> -> memref<1x128x64xf32, #tpu.memory_space<vmem>>
        %dma_start3A_457 = tpu.memref_squeeze %dma_start3A_456 : memref<1x128x64xf32, #tpu.memory_space<vmem>> -> memref<128x64xf32, #tpu.memory_space<vmem>>
        tpu.enqueue_dma source(%dma_start3A_457 : memref<128x64xf32, #tpu.memory_space<vmem>>) target(%dma_start3A_453 : memref<128x64xf32, #tpu.memory_space<hbm>>) target_semaphore(%run_scoped3A_445 : memref<!tpu.dma_semaphore, #tpu.memory_space<semaphore_mem>>)
        %dma_wait3A_458 = arith.constant 0 : i32
        %dma_wait3A_459 = arith.constant 0 : i32
        %dma_wait3A_460 = tpu.memref_slice %arg6[%run_scoped3A_292, %dma_wait3A_458, %dma_wait3A_459] : memref<10x128x64xf32, #tpu.memory_space<vmem>> -> memref<1x128x64xf32, #tpu.memory_space<vmem>>
        %dma_wait3A_461 = tpu.memref_squeeze %dma_wait3A_460 : memref<1x128x64xf32, #tpu.memory_space<vmem>> -> memref<128x64xf32, #tpu.memory_space<vmem>>
        %dma_wait3A_462 = arith.constant 0 : i32
        %dma_wait3A_463 = tpu.memref_slice %arg4[%add3A_291, %dma_wait3A_462] : memref<819200x128xf32, #tpu.memory_space<hbm>> -> memref<128x64xf32, #tpu.memory_space<hbm>>
        %dma_wait3A_464 = arith.constant 0 : i32
        %dma_wait3A_465 = tpu.memref_slice %arg4[%add3A_291, %dma_wait3A_464] : memref<819200x128xf32, #tpu.memory_space<hbm>> -> memref<128x64xf32, #tpu.memory_space<hbm>>
        %dma_wait3A_466 = arith.constant 0 : i32
        %dma_wait3A_467 = arith.constant 0 : i32
        %dma_wait3A_468 = tpu.memref_slice %arg6[%run_scoped3A_292, %dma_wait3A_466, %dma_wait3A_467] : memref<10x128x64xf32, #tpu.memory_space<vmem>> -> memref<1x128x64xf32, #tpu.memory_space<vmem>>
        %dma_wait3A_469 = tpu.memref_squeeze %dma_wait3A_468 : memref<1x128x64xf32, #tpu.memory_space<vmem>> -> memref<128x64xf32, #tpu.memory_space<vmem>>
        tpu.wait_dma2 semaphore(%run_scoped3A_445 : memref<!tpu.dma_semaphore, #tpu.memory_space<semaphore_mem>>) src(%dma_wait3A_469 : memref<128x64xf32, #tpu.memory_space<vmem>>) dst(%dma_wait3A_465 : memref<128x64xf32, #tpu.memory_space<hbm>>)
        tpu.yield
      }) : () -> ()
      %add3A_293 = arith.constant 10 : i32
      %add3A_294 = arith.addi %add3A_274, %add3A_293 : i32
      %lt3A_295 = arith.constant 200 : i32
      %lt3A_296 = arith.cmpi slt, %add3A_294, %lt3A_295 : i32
      %convert_element_type3A_297 = arith.extui %lt3A_296 : i1 to i32
      %cond3A_298 = arith.constant 0 : i32
      %cond3A_299 = arith.cmpi ne, %convert_element_type3A_297, %cond3A_298 : i32
      scf.if %cond3A_299 {
        %dma_start3A_445 = arith.constant 4 : i32
        %dma_start3A_446 = arith.constant 4 : i32
        %dma_start3A_447 = arith.constant 0 : i32
        %dma_start3A_448 = arith.constant 0 : i32
        %dma_start3A_449 = tpu.memref_slice %arg6[%dma_start3A_445, %dma_start3A_447, %dma_start3A_448] : memref<10x128x64xf32, #tpu.memory_space<vmem>> -> memref<1x128x64xf32, #tpu.memory_space<vmem>>
        %dma_start3A_450 = tpu.memref_squeeze %dma_start3A_449 : memref<1x128x64xf32, #tpu.memory_space<vmem>> -> memref<128x64xf32, #tpu.memory_space<vmem>>
        %dma_start3A_451 = arith.constant 0 : i32
        %dma_start3A_452 = tpu.memref_slice %arg5[%add3A_294, %dma_start3A_451] : memref<200x128xi32, #tpu.memory_space<vmem>> -> memref<1x128xi32, #tpu.memory_space<vmem>>
        %dma_start3A_453 = tpu.memref_squeeze %dma_start3A_452 : memref<1x128xi32, #tpu.memory_space<vmem>> -> memref<128xi32, #tpu.memory_space<vmem>>
        %dma_start3A_454 = arith.constant 0 : i32
        %dma_start3A_455 = arith.constant 0 : i32
        %dma_start3A_456 = tpu.memref_slice %arg3[%dma_start3A_454, %dma_start3A_455] : memref<1000000x64xf32, #tpu.memory_space<hbm>> -> memref<1000000x64xf32, #tpu.memory_space<hbm>>
        %dma_start3A_457 = tpu.memref_slice %arg7[%dma_start3A_446] : memref<10x!tpu.dma_semaphore, #tpu.memory_space<semaphore_mem>> -> memref<1x!tpu.dma_semaphore, #tpu.memory_space<semaphore_mem>>
        %dma_start3A_458 = tpu.memref_squeeze %dma_start3A_457 : memref<1x!tpu.dma_semaphore, #tpu.memory_space<semaphore_mem>> -> memref<!tpu.dma_semaphore, #tpu.memory_space<semaphore_mem>>
        tpu.enqueue_indirect_dma source(%dma_start3A_456 : memref<1000000x64xf32, #tpu.memory_space<hbm>>) target(%dma_start3A_450 : memref<128x64xf32, #tpu.memory_space<vmem>>) offsets(%dma_start3A_453 : memref<128xi32, #tpu.memory_space<vmem>>) semaphore(%dma_start3A_458 : memref<!tpu.dma_semaphore, #tpu.memory_space<semaphore_mem>>)
      } else {
      }
      %mul3A_300 = arith.constant 10 : i32
      %mul3A_301 = arith.muli %scan3A_159, %mul3A_300 : i32
      %add3A_302 = arith.constant 5 : i32
      %add3A_303 = arith.addi %mul3A_301, %add3A_302 : i32
      %dma_wait3A_304 = arith.constant 5 : i32
      %dma_wait3A_305 = arith.constant 5 : i32
      %dma_wait3A_306 = arith.constant 0 : i32
      %dma_wait3A_307 = arith.constant 0 : i32
      %dma_wait3A_308 = tpu.memref_slice %arg6[%dma_wait3A_304, %dma_wait3A_306, %dma_wait3A_307] : memref<10x128x64xf32, #tpu.memory_space<vmem>> -> memref<1x128x64xf32, #tpu.memory_space<vmem>>
      %dma_wait3A_309 = tpu.memref_squeeze %dma_wait3A_308 : memref<1x128x64xf32, #tpu.memory_space<vmem>> -> memref<128x64xf32, #tpu.memory_space<vmem>>
      %dma_wait3A_310 = arith.constant 0 : i32
      %dma_wait3A_311 = tpu.memref_slice %arg5[%add3A_303, %dma_wait3A_310] : memref<200x128xi32, #tpu.memory_space<vmem>> -> memref<1x128xi32, #tpu.memory_space<vmem>>
      %dma_wait3A_312 = tpu.memref_squeeze %dma_wait3A_311 : memref<1x128xi32, #tpu.memory_space<vmem>> -> memref<128xi32, #tpu.memory_space<vmem>>
      %dma_wait3A_313 = arith.constant 0 : i32
      %dma_wait3A_314 = arith.constant 0 : i32
      %dma_wait3A_315 = tpu.memref_slice %arg3[%dma_wait3A_313, %dma_wait3A_314] : memref<1000000x64xf32, #tpu.memory_space<hbm>> -> memref<1000000x64xf32, #tpu.memory_space<hbm>>
      %dma_wait3A_316 = tpu.memref_slice %arg7[%dma_wait3A_305] : memref<10x!tpu.dma_semaphore, #tpu.memory_space<semaphore_mem>> -> memref<1x!tpu.dma_semaphore, #tpu.memory_space<semaphore_mem>>
      %dma_wait3A_317 = tpu.memref_squeeze %dma_wait3A_316 : memref<1x!tpu.dma_semaphore, #tpu.memory_space<semaphore_mem>> -> memref<!tpu.dma_semaphore, #tpu.memory_space<semaphore_mem>>
      tpu.wait_indirect_dma semaphore(%dma_wait3A_317 : memref<!tpu.dma_semaphore, #tpu.memory_space<semaphore_mem>>) src(%dma_wait3A_315 : memref<1000000x64xf32, #tpu.memory_space<hbm>>) dst(%dma_wait3A_309 : memref<128x64xf32, #tpu.memory_space<vmem>>)
      %mul3A_318 = arith.constant 128 : i32
      %mul3A_319 = arith.muli %add3A_303, %mul3A_318 : i32
      %add3A_320 = arith.addi %mul3A_2, %mul3A_319 : i32
      %run_scoped3A_321 = arith.constant 5 : i32
      "tpu.region"() ({
        %run_scoped3A_445 = tpu.sem_alloc : memref<!tpu.dma_semaphore, #tpu.memory_space<semaphore_mem>>
        %dma_start3A_446 = arith.constant 0 : i32
        %dma_start3A_447 = arith.constant 0 : i32
        %dma_start3A_448 = tpu.memref_slice %arg6[%run_scoped3A_321, %dma_start3A_446, %dma_start3A_447] : memref<10x128x64xf32, #tpu.memory_space<vmem>> -> memref<1x128x64xf32, #tpu.memory_space<vmem>>
        %dma_start3A_449 = tpu.memref_squeeze %dma_start3A_448 : memref<1x128x64xf32, #tpu.memory_space<vmem>> -> memref<128x64xf32, #tpu.memory_space<vmem>>
        %dma_start3A_450 = arith.constant 0 : i32
        %dma_start3A_451 = tpu.memref_slice %arg4[%add3A_320, %dma_start3A_450] : memref<819200x128xf32, #tpu.memory_space<hbm>> -> memref<128x64xf32, #tpu.memory_space<hbm>>
        %dma_start3A_452 = arith.constant 0 : i32
        %dma_start3A_453 = tpu.memref_slice %arg4[%add3A_320, %dma_start3A_452] : memref<819200x128xf32, #tpu.memory_space<hbm>> -> memref<128x64xf32, #tpu.memory_space<hbm>>
        %dma_start3A_454 = arith.constant 0 : i32
        %dma_start3A_455 = arith.constant 0 : i32
        %dma_start3A_456 = tpu.memref_slice %arg6[%run_scoped3A_321, %dma_start3A_454, %dma_start3A_455] : memref<10x128x64xf32, #tpu.memory_space<vmem>> -> memref<1x128x64xf32, #tpu.memory_space<vmem>>
        %dma_start3A_457 = tpu.memref_squeeze %dma_start3A_456 : memref<1x128x64xf32, #tpu.memory_space<vmem>> -> memref<128x64xf32, #tpu.memory_space<vmem>>
        tpu.enqueue_dma source(%dma_start3A_457 : memref<128x64xf32, #tpu.memory_space<vmem>>) target(%dma_start3A_453 : memref<128x64xf32, #tpu.memory_space<hbm>>) target_semaphore(%run_scoped3A_445 : memref<!tpu.dma_semaphore, #tpu.memory_space<semaphore_mem>>)
        %dma_wait3A_458 = arith.constant 0 : i32
        %dma_wait3A_459 = arith.constant 0 : i32
        %dma_wait3A_460 = tpu.memref_slice %arg6[%run_scoped3A_321, %dma_wait3A_458, %dma_wait3A_459] : memref<10x128x64xf32, #tpu.memory_space<vmem>> -> memref<1x128x64xf32, #tpu.memory_space<vmem>>
        %dma_wait3A_461 = tpu.memref_squeeze %dma_wait3A_460 : memref<1x128x64xf32, #tpu.memory_space<vmem>> -> memref<128x64xf32, #tpu.memory_space<vmem>>
        %dma_wait3A_462 = arith.constant 0 : i32
        %dma_wait3A_463 = tpu.memref_slice %arg4[%add3A_320, %dma_wait3A_462] : memref<819200x128xf32, #tpu.memory_space<hbm>> -> memref<128x64xf32, #tpu.memory_space<hbm>>
        %dma_wait3A_464 = arith.constant 0 : i32
        %dma_wait3A_465 = tpu.memref_slice %arg4[%add3A_320, %dma_wait3A_464] : memref<819200x128xf32, #tpu.memory_space<hbm>> -> memref<128x64xf32, #tpu.memory_space<hbm>>
        %dma_wait3A_466 = arith.constant 0 : i32
        %dma_wait3A_467 = arith.constant 0 : i32
        %dma_wait3A_468 = tpu.memref_slice %arg6[%run_scoped3A_321, %dma_wait3A_466, %dma_wait3A_467] : memref<10x128x64xf32, #tpu.memory_space<vmem>> -> memref<1x128x64xf32, #tpu.memory_space<vmem>>
        %dma_wait3A_469 = tpu.memref_squeeze %dma_wait3A_468 : memref<1x128x64xf32, #tpu.memory_space<vmem>> -> memref<128x64xf32, #tpu.memory_space<vmem>>
        tpu.wait_dma2 semaphore(%run_scoped3A_445 : memref<!tpu.dma_semaphore, #tpu.memory_space<semaphore_mem>>) src(%dma_wait3A_469 : memref<128x64xf32, #tpu.memory_space<vmem>>) dst(%dma_wait3A_465 : memref<128x64xf32, #tpu.memory_space<hbm>>)
        tpu.yield
      }) : () -> ()
      %add3A_322 = arith.constant 10 : i32
      %add3A_323 = arith.addi %add3A_303, %add3A_322 : i32
      %lt3A_324 = arith.constant 200 : i32
      %lt3A_325 = arith.cmpi slt, %add3A_323, %lt3A_324 : i32
      %convert_element_type3A_326 = arith.extui %lt3A_325 : i1 to i32
      %cond3A_327 = arith.constant 0 : i32
      %cond3A_328 = arith.cmpi ne, %convert_element_type3A_326, %cond3A_327 : i32
      scf.if %cond3A_328 {
        %dma_start3A_445 = arith.constant 5 : i32
        %dma_start3A_446 = arith.constant 5 : i32
        %dma_start3A_447 = arith.constant 0 : i32
        %dma_start3A_448 = arith.constant 0 : i32
        %dma_start3A_449 = tpu.memref_slice %arg6[%dma_start3A_445, %dma_start3A_447, %dma_start3A_448] : memref<10x128x64xf32, #tpu.memory_space<vmem>> -> memref<1x128x64xf32, #tpu.memory_space<vmem>>
        %dma_start3A_450 = tpu.memref_squeeze %dma_start3A_449 : memref<1x128x64xf32, #tpu.memory_space<vmem>> -> memref<128x64xf32, #tpu.memory_space<vmem>>
        %dma_start3A_451 = arith.constant 0 : i32
        %dma_start3A_452 = tpu.memref_slice %arg5[%add3A_323, %dma_start3A_451] : memref<200x128xi32, #tpu.memory_space<vmem>> -> memref<1x128xi32, #tpu.memory_space<vmem>>
        %dma_start3A_453 = tpu.memref_squeeze %dma_start3A_452 : memref<1x128xi32, #tpu.memory_space<vmem>> -> memref<128xi32, #tpu.memory_space<vmem>>
        %dma_start3A_454 = arith.constant 0 : i32
        %dma_start3A_455 = arith.constant 0 : i32
        %dma_start3A_456 = tpu.memref_slice %arg3[%dma_start3A_454, %dma_start3A_455] : memref<1000000x64xf32, #tpu.memory_space<hbm>> -> memref<1000000x64xf32, #tpu.memory_space<hbm>>
        %dma_start3A_457 = tpu.memref_slice %arg7[%dma_start3A_446] : memref<10x!tpu.dma_semaphore, #tpu.memory_space<semaphore_mem>> -> memref<1x!tpu.dma_semaphore, #tpu.memory_space<semaphore_mem>>
        %dma_start3A_458 = tpu.memref_squeeze %dma_start3A_457 : memref<1x!tpu.dma_semaphore, #tpu.memory_space<semaphore_mem>> -> memref<!tpu.dma_semaphore, #tpu.memory_space<semaphore_mem>>
        tpu.enqueue_indirect_dma source(%dma_start3A_456 : memref<1000000x64xf32, #tpu.memory_space<hbm>>) target(%dma_start3A_450 : memref<128x64xf32, #tpu.memory_space<vmem>>) offsets(%dma_start3A_453 : memref<128xi32, #tpu.memory_space<vmem>>) semaphore(%dma_start3A_458 : memref<!tpu.dma_semaphore, #tpu.memory_space<semaphore_mem>>)
      } else {
      }
      %mul3A_329 = arith.constant 10 : i32
      %mul3A_330 = arith.muli %scan3A_159, %mul3A_329 : i32
      %add3A_331 = arith.constant 6 : i32
      %add3A_332 = arith.addi %mul3A_330, %add3A_331 : i32
      %dma_wait3A_333 = arith.constant 6 : i32
      %dma_wait3A_334 = arith.constant 6 : i32
      %dma_wait3A_335 = arith.constant 0 : i32
      %dma_wait3A_336 = arith.constant 0 : i32
      %dma_wait3A_337 = tpu.memref_slice %arg6[%dma_wait3A_333, %dma_wait3A_335, %dma_wait3A_336] : memref<10x128x64xf32, #tpu.memory_space<vmem>> -> memref<1x128x64xf32, #tpu.memory_space<vmem>>
      %dma_wait3A_338 = tpu.memref_squeeze %dma_wait3A_337 : memref<1x128x64xf32, #tpu.memory_space<vmem>> -> memref<128x64xf32, #tpu.memory_space<vmem>>
      %dma_wait3A_339 = arith.constant 0 : i32
      %dma_wait3A_340 = tpu.memref_slice %arg5[%add3A_332, %dma_wait3A_339] : memref<200x128xi32, #tpu.memory_space<vmem>> -> memref<1x128xi32, #tpu.memory_space<vmem>>
      %dma_wait3A_341 = tpu.memref_squeeze %dma_wait3A_340 : memref<1x128xi32, #tpu.memory_space<vmem>> -> memref<128xi32, #tpu.memory_space<vmem>>
      %dma_wait3A_342 = arith.constant 0 : i32
      %dma_wait3A_343 = arith.constant 0 : i32
      %dma_wait3A_344 = tpu.memref_slice %arg3[%dma_wait3A_342, %dma_wait3A_343] : memref<1000000x64xf32, #tpu.memory_space<hbm>> -> memref<1000000x64xf32, #tpu.memory_space<hbm>>
      %dma_wait3A_345 = tpu.memref_slice %arg7[%dma_wait3A_334] : memref<10x!tpu.dma_semaphore, #tpu.memory_space<semaphore_mem>> -> memref<1x!tpu.dma_semaphore, #tpu.memory_space<semaphore_mem>>
      %dma_wait3A_346 = tpu.memref_squeeze %dma_wait3A_345 : memref<1x!tpu.dma_semaphore, #tpu.memory_space<semaphore_mem>> -> memref<!tpu.dma_semaphore, #tpu.memory_space<semaphore_mem>>
      tpu.wait_indirect_dma semaphore(%dma_wait3A_346 : memref<!tpu.dma_semaphore, #tpu.memory_space<semaphore_mem>>) src(%dma_wait3A_344 : memref<1000000x64xf32, #tpu.memory_space<hbm>>) dst(%dma_wait3A_338 : memref<128x64xf32, #tpu.memory_space<vmem>>)
      %mul3A_347 = arith.constant 128 : i32
      %mul3A_348 = arith.muli %add3A_332, %mul3A_347 : i32
      %add3A_349 = arith.addi %mul3A_2, %mul3A_348 : i32
      %run_scoped3A_350 = arith.constant 6 : i32
      "tpu.region"() ({
        %run_scoped3A_445 = tpu.sem_alloc : memref<!tpu.dma_semaphore, #tpu.memory_space<semaphore_mem>>
        %dma_start3A_446 = arith.constant 0 : i32
        %dma_start3A_447 = arith.constant 0 : i32
        %dma_start3A_448 = tpu.memref_slice %arg6[%run_scoped3A_350, %dma_start3A_446, %dma_start3A_447] : memref<10x128x64xf32, #tpu.memory_space<vmem>> -> memref<1x128x64xf32, #tpu.memory_space<vmem>>
        %dma_start3A_449 = tpu.memref_squeeze %dma_start3A_448 : memref<1x128x64xf32, #tpu.memory_space<vmem>> -> memref<128x64xf32, #tpu.memory_space<vmem>>
        %dma_start3A_450 = arith.constant 0 : i32
        %dma_start3A_451 = tpu.memref_slice %arg4[%add3A_349, %dma_start3A_450] : memref<819200x128xf32, #tpu.memory_space<hbm>> -> memref<128x64xf32, #tpu.memory_space<hbm>>
        %dma_start3A_452 = arith.constant 0 : i32
        %dma_start3A_453 = tpu.memref_slice %arg4[%add3A_349, %dma_start3A_452] : memref<819200x128xf32, #tpu.memory_space<hbm>> -> memref<128x64xf32, #tpu.memory_space<hbm>>
        %dma_start3A_454 = arith.constant 0 : i32
        %dma_start3A_455 = arith.constant 0 : i32
        %dma_start3A_456 = tpu.memref_slice %arg6[%run_scoped3A_350, %dma_start3A_454, %dma_start3A_455] : memref<10x128x64xf32, #tpu.memory_space<vmem>> -> memref<1x128x64xf32, #tpu.memory_space<vmem>>
        %dma_start3A_457 = tpu.memref_squeeze %dma_start3A_456 : memref<1x128x64xf32, #tpu.memory_space<vmem>> -> memref<128x64xf32, #tpu.memory_space<vmem>>
        tpu.enqueue_dma source(%dma_start3A_457 : memref<128x64xf32, #tpu.memory_space<vmem>>) target(%dma_start3A_453 : memref<128x64xf32, #tpu.memory_space<hbm>>) target_semaphore(%run_scoped3A_445 : memref<!tpu.dma_semaphore, #tpu.memory_space<semaphore_mem>>)
        %dma_wait3A_458 = arith.constant 0 : i32
        %dma_wait3A_459 = arith.constant 0 : i32
        %dma_wait3A_460 = tpu.memref_slice %arg6[%run_scoped3A_350, %dma_wait3A_458, %dma_wait3A_459] : memref<10x128x64xf32, #tpu.memory_space<vmem>> -> memref<1x128x64xf32, #tpu.memory_space<vmem>>
        %dma_wait3A_461 = tpu.memref_squeeze %dma_wait3A_460 : memref<1x128x64xf32, #tpu.memory_space<vmem>> -> memref<128x64xf32, #tpu.memory_space<vmem>>
        %dma_wait3A_462 = arith.constant 0 : i32
        %dma_wait3A_463 = tpu.memref_slice %arg4[%add3A_349, %dma_wait3A_462] : memref<819200x128xf32, #tpu.memory_space<hbm>> -> memref<128x64xf32, #tpu.memory_space<hbm>>
        %dma_wait3A_464 = arith.constant 0 : i32
        %dma_wait3A_465 = tpu.memref_slice %arg4[%add3A_349, %dma_wait3A_464] : memref<819200x128xf32, #tpu.memory_space<hbm>> -> memref<128x64xf32, #tpu.memory_space<hbm>>
        %dma_wait3A_466 = arith.constant 0 : i32
        %dma_wait3A_467 = arith.constant 0 : i32
        %dma_wait3A_468 = tpu.memref_slice %arg6[%run_scoped3A_350, %dma_wait3A_466, %dma_wait3A_467] : memref<10x128x64xf32, #tpu.memory_space<vmem>> -> memref<1x128x64xf32, #tpu.memory_space<vmem>>
        %dma_wait3A_469 = tpu.memref_squeeze %dma_wait3A_468 : memref<1x128x64xf32, #tpu.memory_space<vmem>> -> memref<128x64xf32, #tpu.memory_space<vmem>>
        tpu.wait_dma2 semaphore(%run_scoped3A_445 : memref<!tpu.dma_semaphore, #tpu.memory_space<semaphore_mem>>) src(%dma_wait3A_469 : memref<128x64xf32, #tpu.memory_space<vmem>>) dst(%dma_wait3A_465 : memref<128x64xf32, #tpu.memory_space<hbm>>)
        tpu.yield
      }) : () -> ()
      %add3A_351 = arith.constant 10 : i32
      %add3A_352 = arith.addi %add3A_332, %add3A_351 : i32
      %lt3A_353 = arith.constant 200 : i32
      %lt3A_354 = arith.cmpi slt, %add3A_352, %lt3A_353 : i32
      %convert_element_type3A_355 = arith.extui %lt3A_354 : i1 to i32
      %cond3A_356 = arith.constant 0 : i32
      %cond3A_357 = arith.cmpi ne, %convert_element_type3A_355, %cond3A_356 : i32
      scf.if %cond3A_357 {
        %dma_start3A_445 = arith.constant 6 : i32
        %dma_start3A_446 = arith.constant 6 : i32
        %dma_start3A_447 = arith.constant 0 : i32
        %dma_start3A_448 = arith.constant 0 : i32
        %dma_start3A_449 = tpu.memref_slice %arg6[%dma_start3A_445, %dma_start3A_447, %dma_start3A_448] : memref<10x128x64xf32, #tpu.memory_space<vmem>> -> memref<1x128x64xf32, #tpu.memory_space<vmem>>
        %dma_start3A_450 = tpu.memref_squeeze %dma_start3A_449 : memref<1x128x64xf32, #tpu.memory_space<vmem>> -> memref<128x64xf32, #tpu.memory_space<vmem>>
        %dma_start3A_451 = arith.constant 0 : i32
        %dma_start3A_452 = tpu.memref_slice %arg5[%add3A_352, %dma_start3A_451] : memref<200x128xi32, #tpu.memory_space<vmem>> -> memref<1x128xi32, #tpu.memory_space<vmem>>
        %dma_start3A_453 = tpu.memref_squeeze %dma_start3A_452 : memref<1x128xi32, #tpu.memory_space<vmem>> -> memref<128xi32, #tpu.memory_space<vmem>>
        %dma_start3A_454 = arith.constant 0 : i32
        %dma_start3A_455 = arith.constant 0 : i32
        %dma_start3A_456 = tpu.memref_slice %arg3[%dma_start3A_454, %dma_start3A_455] : memref<1000000x64xf32, #tpu.memory_space<hbm>> -> memref<1000000x64xf32, #tpu.memory_space<hbm>>
        %dma_start3A_457 = tpu.memref_slice %arg7[%dma_start3A_446] : memref<10x!tpu.dma_semaphore, #tpu.memory_space<semaphore_mem>> -> memref<1x!tpu.dma_semaphore, #tpu.memory_space<semaphore_mem>>
        %dma_start3A_458 = tpu.memref_squeeze %dma_start3A_457 : memref<1x!tpu.dma_semaphore, #tpu.memory_space<semaphore_mem>> -> memref<!tpu.dma_semaphore, #tpu.memory_space<semaphore_mem>>
        tpu.enqueue_indirect_dma source(%dma_start3A_456 : memref<1000000x64xf32, #tpu.memory_space<hbm>>) target(%dma_start3A_450 : memref<128x64xf32, #tpu.memory_space<vmem>>) offsets(%dma_start3A_453 : memref<128xi32, #tpu.memory_space<vmem>>) semaphore(%dma_start3A_458 : memref<!tpu.dma_semaphore, #tpu.memory_space<semaphore_mem>>)
      } else {
      }
      %mul3A_358 = arith.constant 10 : i32
      %mul3A_359 = arith.muli %scan3A_159, %mul3A_358 : i32
      %add3A_360 = arith.constant 7 : i32
      %add3A_361 = arith.addi %mul3A_359, %add3A_360 : i32
      %dma_wait3A_362 = arith.constant 7 : i32
      %dma_wait3A_363 = arith.constant 7 : i32
      %dma_wait3A_364 = arith.constant 0 : i32
      %dma_wait3A_365 = arith.constant 0 : i32
      %dma_wait3A_366 = tpu.memref_slice %arg6[%dma_wait3A_362, %dma_wait3A_364, %dma_wait3A_365] : memref<10x128x64xf32, #tpu.memory_space<vmem>> -> memref<1x128x64xf32, #tpu.memory_space<vmem>>
      %dma_wait3A_367 = tpu.memref_squeeze %dma_wait3A_366 : memref<1x128x64xf32, #tpu.memory_space<vmem>> -> memref<128x64xf32, #tpu.memory_space<vmem>>
      %dma_wait3A_368 = arith.constant 0 : i32
      %dma_wait3A_369 = tpu.memref_slice %arg5[%add3A_361, %dma_wait3A_368] : memref<200x128xi32, #tpu.memory_space<vmem>> -> memref<1x128xi32, #tpu.memory_space<vmem>>
      %dma_wait3A_370 = tpu.memref_squeeze %dma_wait3A_369 : memref<1x128xi32, #tpu.memory_space<vmem>> -> memref<128xi32, #tpu.memory_space<vmem>>
      %dma_wait3A_371 = arith.constant 0 : i32
      %dma_wait3A_372 = arith.constant 0 : i32
      %dma_wait3A_373 = tpu.memref_slice %arg3[%dma_wait3A_371, %dma_wait3A_372] : memref<1000000x64xf32, #tpu.memory_space<hbm>> -> memref<1000000x64xf32, #tpu.memory_space<hbm>>
      %dma_wait3A_374 = tpu.memref_slice %arg7[%dma_wait3A_363] : memref<10x!tpu.dma_semaphore, #tpu.memory_space<semaphore_mem>> -> memref<1x!tpu.dma_semaphore, #tpu.memory_space<semaphore_mem>>
      %dma_wait3A_375 = tpu.memref_squeeze %dma_wait3A_374 : memref<1x!tpu.dma_semaphore, #tpu.memory_space<semaphore_mem>> -> memref<!tpu.dma_semaphore, #tpu.memory_space<semaphore_mem>>
      tpu.wait_indirect_dma semaphore(%dma_wait3A_375 : memref<!tpu.dma_semaphore, #tpu.memory_space<semaphore_mem>>) src(%dma_wait3A_373 : memref<1000000x64xf32, #tpu.memory_space<hbm>>) dst(%dma_wait3A_367 : memref<128x64xf32, #tpu.memory_space<vmem>>)
      %mul3A_376 = arith.constant 128 : i32
      %mul3A_377 = arith.muli %add3A_361, %mul3A_376 : i32
      %add3A_378 = arith.addi %mul3A_2, %mul3A_377 : i32
      %run_scoped3A_379 = arith.constant 7 : i32
      "tpu.region"() ({
        %run_scoped3A_445 = tpu.sem_alloc : memref<!tpu.dma_semaphore, #tpu.memory_space<semaphore_mem>>
        %dma_start3A_446 = arith.constant 0 : i32
        %dma_start3A_447 = arith.constant 0 : i32
        %dma_start3A_448 = tpu.memref_slice %arg6[%run_scoped3A_379, %dma_start3A_446, %dma_start3A_447] : memref<10x128x64xf32, #tpu.memory_space<vmem>> -> memref<1x128x64xf32, #tpu.memory_space<vmem>>
        %dma_start3A_449 = tpu.memref_squeeze %dma_start3A_448 : memref<1x128x64xf32, #tpu.memory_space<vmem>> -> memref<128x64xf32, #tpu.memory_space<vmem>>
        %dma_start3A_450 = arith.constant 0 : i32
        %dma_start3A_451 = tpu.memref_slice %arg4[%add3A_378, %dma_start3A_450] : memref<819200x128xf32, #tpu.memory_space<hbm>> -> memref<128x64xf32, #tpu.memory_space<hbm>>
        %dma_start3A_452 = arith.constant 0 : i32
        %dma_start3A_453 = tpu.memref_slice %arg4[%add3A_378, %dma_start3A_452] : memref<819200x128xf32, #tpu.memory_space<hbm>> -> memref<128x64xf32, #tpu.memory_space<hbm>>
        %dma_start3A_454 = arith.constant 0 : i32
        %dma_start3A_455 = arith.constant 0 : i32
        %dma_start3A_456 = tpu.memref_slice %arg6[%run_scoped3A_379, %dma_start3A_454, %dma_start3A_455] : memref<10x128x64xf32, #tpu.memory_space<vmem>> -> memref<1x128x64xf32, #tpu.memory_space<vmem>>
        %dma_start3A_457 = tpu.memref_squeeze %dma_start3A_456 : memref<1x128x64xf32, #tpu.memory_space<vmem>> -> memref<128x64xf32, #tpu.memory_space<vmem>>
        tpu.enqueue_dma source(%dma_start3A_457 : memref<128x64xf32, #tpu.memory_space<vmem>>) target(%dma_start3A_453 : memref<128x64xf32, #tpu.memory_space<hbm>>) target_semaphore(%run_scoped3A_445 : memref<!tpu.dma_semaphore, #tpu.memory_space<semaphore_mem>>)
        %dma_wait3A_458 = arith.constant 0 : i32
        %dma_wait3A_459 = arith.constant 0 : i32
        %dma_wait3A_460 = tpu.memref_slice %arg6[%run_scoped3A_379, %dma_wait3A_458, %dma_wait3A_459] : memref<10x128x64xf32, #tpu.memory_space<vmem>> -> memref<1x128x64xf32, #tpu.memory_space<vmem>>
        %dma_wait3A_461 = tpu.memref_squeeze %dma_wait3A_460 : memref<1x128x64xf32, #tpu.memory_space<vmem>> -> memref<128x64xf32, #tpu.memory_space<vmem>>
        %dma_wait3A_462 = arith.constant 0 : i32
        %dma_wait3A_463 = tpu.memref_slice %arg4[%add3A_378, %dma_wait3A_462] : memref<819200x128xf32, #tpu.memory_space<hbm>> -> memref<128x64xf32, #tpu.memory_space<hbm>>
        %dma_wait3A_464 = arith.constant 0 : i32
        %dma_wait3A_465 = tpu.memref_slice %arg4[%add3A_378, %dma_wait3A_464] : memref<819200x128xf32, #tpu.memory_space<hbm>> -> memref<128x64xf32, #tpu.memory_space<hbm>>
        %dma_wait3A_466 = arith.constant 0 : i32
        %dma_wait3A_467 = arith.constant 0 : i32
        %dma_wait3A_468 = tpu.memref_slice %arg6[%run_scoped3A_379, %dma_wait3A_466, %dma_wait3A_467] : memref<10x128x64xf32, #tpu.memory_space<vmem>> -> memref<1x128x64xf32, #tpu.memory_space<vmem>>
        %dma_wait3A_469 = tpu.memref_squeeze %dma_wait3A_468 : memref<1x128x64xf32, #tpu.memory_space<vmem>> -> memref<128x64xf32, #tpu.memory_space<vmem>>
        tpu.wait_dma2 semaphore(%run_scoped3A_445 : memref<!tpu.dma_semaphore, #tpu.memory_space<semaphore_mem>>) src(%dma_wait3A_469 : memref<128x64xf32, #tpu.memory_space<vmem>>) dst(%dma_wait3A_465 : memref<128x64xf32, #tpu.memory_space<hbm>>)
        tpu.yield
      }) : () -> ()
      %add3A_380 = arith.constant 10 : i32
      %add3A_381 = arith.addi %add3A_361, %add3A_380 : i32
      %lt3A_382 = arith.constant 200 : i32
      %lt3A_383 = arith.cmpi slt, %add3A_381, %lt3A_382 : i32
      %convert_element_type3A_384 = arith.extui %lt3A_383 : i1 to i32
      %cond3A_385 = arith.constant 0 : i32
      %cond3A_386 = arith.cmpi ne, %convert_element_type3A_384, %cond3A_385 : i32
      scf.if %cond3A_386 {
        %dma_start3A_445 = arith.constant 7 : i32
        %dma_start3A_446 = arith.constant 7 : i32
        %dma_start3A_447 = arith.constant 0 : i32
        %dma_start3A_448 = arith.constant 0 : i32
        %dma_start3A_449 = tpu.memref_slice %arg6[%dma_start3A_445, %dma_start3A_447, %dma_start3A_448] : memref<10x128x64xf32, #tpu.memory_space<vmem>> -> memref<1x128x64xf32, #tpu.memory_space<vmem>>
        %dma_start3A_450 = tpu.memref_squeeze %dma_start3A_449 : memref<1x128x64xf32, #tpu.memory_space<vmem>> -> memref<128x64xf32, #tpu.memory_space<vmem>>
        %dma_start3A_451 = arith.constant 0 : i32
        %dma_start3A_452 = tpu.memref_slice %arg5[%add3A_381, %dma_start3A_451] : memref<200x128xi32, #tpu.memory_space<vmem>> -> memref<1x128xi32, #tpu.memory_space<vmem>>
        %dma_start3A_453 = tpu.memref_squeeze %dma_start3A_452 : memref<1x128xi32, #tpu.memory_space<vmem>> -> memref<128xi32, #tpu.memory_space<vmem>>
        %dma_start3A_454 = arith.constant 0 : i32
        %dma_start3A_455 = arith.constant 0 : i32
        %dma_start3A_456 = tpu.memref_slice %arg3[%dma_start3A_454, %dma_start3A_455] : memref<1000000x64xf32, #tpu.memory_space<hbm>> -> memref<1000000x64xf32, #tpu.memory_space<hbm>>
        %dma_start3A_457 = tpu.memref_slice %arg7[%dma_start3A_446] : memref<10x!tpu.dma_semaphore, #tpu.memory_space<semaphore_mem>> -> memref<1x!tpu.dma_semaphore, #tpu.memory_space<semaphore_mem>>
        %dma_start3A_458 = tpu.memref_squeeze %dma_start3A_457 : memref<1x!tpu.dma_semaphore, #tpu.memory_space<semaphore_mem>> -> memref<!tpu.dma_semaphore, #tpu.memory_space<semaphore_mem>>
        tpu.enqueue_indirect_dma source(%dma_start3A_456 : memref<1000000x64xf32, #tpu.memory_space<hbm>>) target(%dma_start3A_450 : memref<128x64xf32, #tpu.memory_space<vmem>>) offsets(%dma_start3A_453 : memref<128xi32, #tpu.memory_space<vmem>>) semaphore(%dma_start3A_458 : memref<!tpu.dma_semaphore, #tpu.memory_space<semaphore_mem>>)
      } else {
      }
      %mul3A_387 = arith.constant 10 : i32
      %mul3A_388 = arith.muli %scan3A_159, %mul3A_387 : i32
      %add3A_389 = arith.constant 8 : i32
      %add3A_390 = arith.addi %mul3A_388, %add3A_389 : i32
      %dma_wait3A_391 = arith.constant 8 : i32
      %dma_wait3A_392 = arith.constant 8 : i32
      %dma_wait3A_393 = arith.constant 0 : i32
      %dma_wait3A_394 = arith.constant 0 : i32
      %dma_wait3A_395 = tpu.memref_slice %arg6[%dma_wait3A_391, %dma_wait3A_393, %dma_wait3A_394] : memref<10x128x64xf32, #tpu.memory_space<vmem>> -> memref<1x128x64xf32, #tpu.memory_space<vmem>>
      %dma_wait3A_396 = tpu.memref_squeeze %dma_wait3A_395 : memref<1x128x64xf32, #tpu.memory_space<vmem>> -> memref<128x64xf32, #tpu.memory_space<vmem>>
      %dma_wait3A_397 = arith.constant 0 : i32
      %dma_wait3A_398 = tpu.memref_slice %arg5[%add3A_390, %dma_wait3A_397] : memref<200x128xi32, #tpu.memory_space<vmem>> -> memref<1x128xi32, #tpu.memory_space<vmem>>
      %dma_wait3A_399 = tpu.memref_squeeze %dma_wait3A_398 : memref<1x128xi32, #tpu.memory_space<vmem>> -> memref<128xi32, #tpu.memory_space<vmem>>
      %dma_wait3A_400 = arith.constant 0 : i32
      %dma_wait3A_401 = arith.constant 0 : i32
      %dma_wait3A_402 = tpu.memref_slice %arg3[%dma_wait3A_400, %dma_wait3A_401] : memref<1000000x64xf32, #tpu.memory_space<hbm>> -> memref<1000000x64xf32, #tpu.memory_space<hbm>>
      %dma_wait3A_403 = tpu.memref_slice %arg7[%dma_wait3A_392] : memref<10x!tpu.dma_semaphore, #tpu.memory_space<semaphore_mem>> -> memref<1x!tpu.dma_semaphore, #tpu.memory_space<semaphore_mem>>
      %dma_wait3A_404 = tpu.memref_squeeze %dma_wait3A_403 : memref<1x!tpu.dma_semaphore, #tpu.memory_space<semaphore_mem>> -> memref<!tpu.dma_semaphore, #tpu.memory_space<semaphore_mem>>
      tpu.wait_indirect_dma semaphore(%dma_wait3A_404 : memref<!tpu.dma_semaphore, #tpu.memory_space<semaphore_mem>>) src(%dma_wait3A_402 : memref<1000000x64xf32, #tpu.memory_space<hbm>>) dst(%dma_wait3A_396 : memref<128x64xf32, #tpu.memory_space<vmem>>)
      %mul3A_405 = arith.constant 128 : i32
      %mul3A_406 = arith.muli %add3A_390, %mul3A_405 : i32
      %add3A_407 = arith.addi %mul3A_2, %mul3A_406 : i32
      %run_scoped3A_408 = arith.constant 8 : i32
      "tpu.region"() ({
        %run_scoped3A_445 = tpu.sem_alloc : memref<!tpu.dma_semaphore, #tpu.memory_space<semaphore_mem>>
        %dma_start3A_446 = arith.constant 0 : i32
        %dma_start3A_447 = arith.constant 0 : i32
        %dma_start3A_448 = tpu.memref_slice %arg6[%run_scoped3A_408, %dma_start3A_446, %dma_start3A_447] : memref<10x128x64xf32, #tpu.memory_space<vmem>> -> memref<1x128x64xf32, #tpu.memory_space<vmem>>
        %dma_start3A_449 = tpu.memref_squeeze %dma_start3A_448 : memref<1x128x64xf32, #tpu.memory_space<vmem>> -> memref<128x64xf32, #tpu.memory_space<vmem>>
        %dma_start3A_450 = arith.constant 0 : i32
        %dma_start3A_451 = tpu.memref_slice %arg4[%add3A_407, %dma_start3A_450] : memref<819200x128xf32, #tpu.memory_space<hbm>> -> memref<128x64xf32, #tpu.memory_space<hbm>>
        %dma_start3A_452 = arith.constant 0 : i32
        %dma_start3A_453 = tpu.memref_slice %arg4[%add3A_407, %dma_start3A_452] : memref<819200x128xf32, #tpu.memory_space<hbm>> -> memref<128x64xf32, #tpu.memory_space<hbm>>
        %dma_start3A_454 = arith.constant 0 : i32
        %dma_start3A_455 = arith.constant 0 : i32
        %dma_start3A_456 = tpu.memref_slice %arg6[%run_scoped3A_408, %dma_start3A_454, %dma_start3A_455] : memref<10x128x64xf32, #tpu.memory_space<vmem>> -> memref<1x128x64xf32, #tpu.memory_space<vmem>>
        %dma_start3A_457 = tpu.memref_squeeze %dma_start3A_456 : memref<1x128x64xf32, #tpu.memory_space<vmem>> -> memref<128x64xf32, #tpu.memory_space<vmem>>
        tpu.enqueue_dma source(%dma_start3A_457 : memref<128x64xf32, #tpu.memory_space<vmem>>) target(%dma_start3A_453 : memref<128x64xf32, #tpu.memory_space<hbm>>) target_semaphore(%run_scoped3A_445 : memref<!tpu.dma_semaphore, #tpu.memory_space<semaphore_mem>>)
        %dma_wait3A_458 = arith.constant 0 : i32
        %dma_wait3A_459 = arith.constant 0 : i32
        %dma_wait3A_460 = tpu.memref_slice %arg6[%run_scoped3A_408, %dma_wait3A_458, %dma_wait3A_459] : memref<10x128x64xf32, #tpu.memory_space<vmem>> -> memref<1x128x64xf32, #tpu.memory_space<vmem>>
        %dma_wait3A_461 = tpu.memref_squeeze %dma_wait3A_460 : memref<1x128x64xf32, #tpu.memory_space<vmem>> -> memref<128x64xf32, #tpu.memory_space<vmem>>
        %dma_wait3A_462 = arith.constant 0 : i32
        %dma_wait3A_463 = tpu.memref_slice %arg4[%add3A_407, %dma_wait3A_462] : memref<819200x128xf32, #tpu.memory_space<hbm>> -> memref<128x64xf32, #tpu.memory_space<hbm>>
        %dma_wait3A_464 = arith.constant 0 : i32
        %dma_wait3A_465 = tpu.memref_slice %arg4[%add3A_407, %dma_wait3A_464] : memref<819200x128xf32, #tpu.memory_space<hbm>> -> memref<128x64xf32, #tpu.memory_space<hbm>>
        %dma_wait3A_466 = arith.constant 0 : i32
        %dma_wait3A_467 = arith.constant 0 : i32
        %dma_wait3A_468 = tpu.memref_slice %arg6[%run_scoped3A_408, %dma_wait3A_466, %dma_wait3A_467] : memref<10x128x64xf32, #tpu.memory_space<vmem>> -> memref<1x128x64xf32, #tpu.memory_space<vmem>>
        %dma_wait3A_469 = tpu.memref_squeeze %dma_wait3A_468 : memref<1x128x64xf32, #tpu.memory_space<vmem>> -> memref<128x64xf32, #tpu.memory_space<vmem>>
        tpu.wait_dma2 semaphore(%run_scoped3A_445 : memref<!tpu.dma_semaphore, #tpu.memory_space<semaphore_mem>>) src(%dma_wait3A_469 : memref<128x64xf32, #tpu.memory_space<vmem>>) dst(%dma_wait3A_465 : memref<128x64xf32, #tpu.memory_space<hbm>>)
        tpu.yield
      }) : () -> ()
      %add3A_409 = arith.constant 10 : i32
      %add3A_410 = arith.addi %add3A_390, %add3A_409 : i32
      %lt3A_411 = arith.constant 200 : i32
      %lt3A_412 = arith.cmpi slt, %add3A_410, %lt3A_411 : i32
      %convert_element_type3A_413 = arith.extui %lt3A_412 : i1 to i32
      %cond3A_414 = arith.constant 0 : i32
      %cond3A_415 = arith.cmpi ne, %convert_element_type3A_413, %cond3A_414 : i32
      scf.if %cond3A_415 {
        %dma_start3A_445 = arith.constant 8 : i32
        %dma_start3A_446 = arith.constant 8 : i32
        %dma_start3A_447 = arith.constant 0 : i32
        %dma_start3A_448 = arith.constant 0 : i32
        %dma_start3A_449 = tpu.memref_slice %arg6[%dma_start3A_445, %dma_start3A_447, %dma_start3A_448] : memref<10x128x64xf32, #tpu.memory_space<vmem>> -> memref<1x128x64xf32, #tpu.memory_space<vmem>>
        %dma_start3A_450 = tpu.memref_squeeze %dma_start3A_449 : memref<1x128x64xf32, #tpu.memory_space<vmem>> -> memref<128x64xf32, #tpu.memory_space<vmem>>
        %dma_start3A_451 = arith.constant 0 : i32
        %dma_start3A_452 = tpu.memref_slice %arg5[%add3A_410, %dma_start3A_451] : memref<200x128xi32, #tpu.memory_space<vmem>> -> memref<1x128xi32, #tpu.memory_space<vmem>>
        %dma_start3A_453 = tpu.memref_squeeze %dma_start3A_452 : memref<1x128xi32, #tpu.memory_space<vmem>> -> memref<128xi32, #tpu.memory_space<vmem>>
        %dma_start3A_454 = arith.constant 0 : i32
        %dma_start3A_455 = arith.constant 0 : i32
        %dma_start3A_456 = tpu.memref_slice %arg3[%dma_start3A_454, %dma_start3A_455] : memref<1000000x64xf32, #tpu.memory_space<hbm>> -> memref<1000000x64xf32, #tpu.memory_space<hbm>>
        %dma_start3A_457 = tpu.memref_slice %arg7[%dma_start3A_446] : memref<10x!tpu.dma_semaphore, #tpu.memory_space<semaphore_mem>> -> memref<1x!tpu.dma_semaphore, #tpu.memory_space<semaphore_mem>>
        %dma_start3A_458 = tpu.memref_squeeze %dma_start3A_457 : memref<1x!tpu.dma_semaphore, #tpu.memory_space<semaphore_mem>> -> memref<!tpu.dma_semaphore, #tpu.memory_space<semaphore_mem>>
        tpu.enqueue_indirect_dma source(%dma_start3A_456 : memref<1000000x64xf32, #tpu.memory_space<hbm>>) target(%dma_start3A_450 : memref<128x64xf32, #tpu.memory_space<vmem>>) offsets(%dma_start3A_453 : memref<128xi32, #tpu.memory_space<vmem>>) semaphore(%dma_start3A_458 : memref<!tpu.dma_semaphore, #tpu.memory_space<semaphore_mem>>)
      } else {
      }
      %mul3A_416 = arith.constant 10 : i32
      %mul3A_417 = arith.muli %scan3A_159, %mul3A_416 : i32
      %add3A_418 = arith.constant 9 : i32
      %add3A_419 = arith.addi %mul3A_417, %add3A_418 : i32
      %dma_wait3A_420 = arith.constant 9 : i32
      %dma_wait3A_421 = arith.constant 9 : i32
      %dma_wait3A_422 = arith.constant 0 : i32
      %dma_wait3A_423 = arith.constant 0 : i32
      %dma_wait3A_424 = tpu.memref_slice %arg6[%dma_wait3A_420, %dma_wait3A_422, %dma_wait3A_423] : memref<10x128x64xf32, #tpu.memory_space<vmem>> -> memref<1x128x64xf32, #tpu.memory_space<vmem>>
      %dma_wait3A_425 = tpu.memref_squeeze %dma_wait3A_424 : memref<1x128x64xf32, #tpu.memory_space<vmem>> -> memref<128x64xf32, #tpu.memory_space<vmem>>
      %dma_wait3A_426 = arith.constant 0 : i32
      %dma_wait3A_427 = tpu.memref_slice %arg5[%add3A_419, %dma_wait3A_426] : memref<200x128xi32, #tpu.memory_space<vmem>> -> memref<1x128xi32, #tpu.memory_space<vmem>>
      %dma_wait3A_428 = tpu.memref_squeeze %dma_wait3A_427 : memref<1x128xi32, #tpu.memory_space<vmem>> -> memref<128xi32, #tpu.memory_space<vmem>>
      %dma_wait3A_429 = arith.constant 0 : i32
      %dma_wait3A_430 = arith.constant 0 : i32
      %dma_wait3A_431 = tpu.memref_slice %arg3[%dma_wait3A_429, %dma_wait3A_430] : memref<1000000x64xf32, #tpu.memory_space<hbm>> -> memref<1000000x64xf32, #tpu.memory_space<hbm>>
      %dma_wait3A_432 = tpu.memref_slice %arg7[%dma_wait3A_421] : memref<10x!tpu.dma_semaphore, #tpu.memory_space<semaphore_mem>> -> memref<1x!tpu.dma_semaphore, #tpu.memory_space<semaphore_mem>>
      %dma_wait3A_433 = tpu.memref_squeeze %dma_wait3A_432 : memref<1x!tpu.dma_semaphore, #tpu.memory_space<semaphore_mem>> -> memref<!tpu.dma_semaphore, #tpu.memory_space<semaphore_mem>>
      tpu.wait_indirect_dma semaphore(%dma_wait3A_433 : memref<!tpu.dma_semaphore, #tpu.memory_space<semaphore_mem>>) src(%dma_wait3A_431 : memref<1000000x64xf32, #tpu.memory_space<hbm>>) dst(%dma_wait3A_425 : memref<128x64xf32, #tpu.memory_space<vmem>>)
      %mul3A_434 = arith.constant 128 : i32
      %mul3A_435 = arith.muli %add3A_419, %mul3A_434 : i32
      %add3A_436 = arith.addi %mul3A_2, %mul3A_435 : i32
      %run_scoped3A_437 = arith.constant 9 : i32
      "tpu.region"() ({
        %run_scoped3A_445 = tpu.sem_alloc : memref<!tpu.dma_semaphore, #tpu.memory_space<semaphore_mem>>
        %dma_start3A_446 = arith.constant 0 : i32
        %dma_start3A_447 = arith.constant 0 : i32
        %dma_start3A_448 = tpu.memref_slice %arg6[%run_scoped3A_437, %dma_start3A_446, %dma_start3A_447] : memref<10x128x64xf32, #tpu.memory_space<vmem>> -> memref<1x128x64xf32, #tpu.memory_space<vmem>>
        %dma_start3A_449 = tpu.memref_squeeze %dma_start3A_448 : memref<1x128x64xf32, #tpu.memory_space<vmem>> -> memref<128x64xf32, #tpu.memory_space<vmem>>
        %dma_start3A_450 = arith.constant 0 : i32
        %dma_start3A_451 = tpu.memref_slice %arg4[%add3A_436, %dma_start3A_450] : memref<819200x128xf32, #tpu.memory_space<hbm>> -> memref<128x64xf32, #tpu.memory_space<hbm>>
        %dma_start3A_452 = arith.constant 0 : i32
        %dma_start3A_453 = tpu.memref_slice %arg4[%add3A_436, %dma_start3A_452] : memref<819200x128xf32, #tpu.memory_space<hbm>> -> memref<128x64xf32, #tpu.memory_space<hbm>>
        %dma_start3A_454 = arith.constant 0 : i32
        %dma_start3A_455 = arith.constant 0 : i32
        %dma_start3A_456 = tpu.memref_slice %arg6[%run_scoped3A_437, %dma_start3A_454, %dma_start3A_455] : memref<10x128x64xf32, #tpu.memory_space<vmem>> -> memref<1x128x64xf32, #tpu.memory_space<vmem>>
        %dma_start3A_457 = tpu.memref_squeeze %dma_start3A_456 : memref<1x128x64xf32, #tpu.memory_space<vmem>> -> memref<128x64xf32, #tpu.memory_space<vmem>>
        tpu.enqueue_dma source(%dma_start3A_457 : memref<128x64xf32, #tpu.memory_space<vmem>>) target(%dma_start3A_453 : memref<128x64xf32, #tpu.memory_space<hbm>>) target_semaphore(%run_scoped3A_445 : memref<!tpu.dma_semaphore, #tpu.memory_space<semaphore_mem>>)
        %dma_wait3A_458 = arith.constant 0 : i32
        %dma_wait3A_459 = arith.constant 0 : i32
        %dma_wait3A_460 = tpu.memref_slice %arg6[%run_scoped3A_437, %dma_wait3A_458, %dma_wait3A_459] : memref<10x128x64xf32, #tpu.memory_space<vmem>> -> memref<1x128x64xf32, #tpu.memory_space<vmem>>
        %dma_wait3A_461 = tpu.memref_squeeze %dma_wait3A_460 : memref<1x128x64xf32, #tpu.memory_space<vmem>> -> memref<128x64xf32, #tpu.memory_space<vmem>>
        %dma_wait3A_462 = arith.constant 0 : i32
        %dma_wait3A_463 = tpu.memref_slice %arg4[%add3A_436, %dma_wait3A_462] : memref<819200x128xf32, #tpu.memory_space<hbm>> -> memref<128x64xf32, #tpu.memory_space<hbm>>
        %dma_wait3A_464 = arith.constant 0 : i32
        %dma_wait3A_465 = tpu.memref_slice %arg4[%add3A_436, %dma_wait3A_464] : memref<819200x128xf32, #tpu.memory_space<hbm>> -> memref<128x64xf32, #tpu.memory_space<hbm>>
        %dma_wait3A_466 = arith.constant 0 : i32
        %dma_wait3A_467 = arith.constant 0 : i32
        %dma_wait3A_468 = tpu.memref_slice %arg6[%run_scoped3A_437, %dma_wait3A_466, %dma_wait3A_467] : memref<10x128x64xf32, #tpu.memory_space<vmem>> -> memref<1x128x64xf32, #tpu.memory_space<vmem>>
        %dma_wait3A_469 = tpu.memref_squeeze %dma_wait3A_468 : memref<1x128x64xf32, #tpu.memory_space<vmem>> -> memref<128x64xf32, #tpu.memory_space<vmem>>
        tpu.wait_dma2 semaphore(%run_scoped3A_445 : memref<!tpu.dma_semaphore, #tpu.memory_space<semaphore_mem>>) src(%dma_wait3A_469 : memref<128x64xf32, #tpu.memory_space<vmem>>) dst(%dma_wait3A_465 : memref<128x64xf32, #tpu.memory_space<hbm>>)
        tpu.yield
      }) : () -> ()
      %add3A_438 = arith.constant 10 : i32
      %add3A_439 = arith.addi %add3A_419, %add3A_438 : i32
      %lt3A_440 = arith.constant 200 : i32
      %lt3A_441 = arith.cmpi slt, %add3A_439, %lt3A_440 : i32
      %convert_element_type3A_442 = arith.extui %lt3A_441 : i1 to i32
      %cond3A_443 = arith.constant 0 : i32
      %cond3A_444 = arith.cmpi ne, %convert_element_type3A_442, %cond3A_443 : i32
      scf.if %cond3A_444 {
        %dma_start3A_445 = arith.constant 9 : i32
        %dma_start3A_446 = arith.constant 9 : i32
        %dma_start3A_447 = arith.constant 0 : i32
        %dma_start3A_448 = arith.constant 0 : i32
        %dma_start3A_449 = tpu.memref_slice %arg6[%dma_start3A_445, %dma_start3A_447, %dma_start3A_448] : memref<10x128x64xf32, #tpu.memory_space<vmem>> -> memref<1x128x64xf32, #tpu.memory_space<vmem>>
        %dma_start3A_450 = tpu.memref_squeeze %dma_start3A_449 : memref<1x128x64xf32, #tpu.memory_space<vmem>> -> memref<128x64xf32, #tpu.memory_space<vmem>>
        %dma_start3A_451 = arith.constant 0 : i32
        %dma_start3A_452 = tpu.memref_slice %arg5[%add3A_439, %dma_start3A_451] : memref<200x128xi32, #tpu.memory_space<vmem>> -> memref<1x128xi32, #tpu.memory_space<vmem>>
        %dma_start3A_453 = tpu.memref_squeeze %dma_start3A_452 : memref<1x128xi32, #tpu.memory_space<vmem>> -> memref<128xi32, #tpu.memory_space<vmem>>
        %dma_start3A_454 = arith.constant 0 : i32
        %dma_start3A_455 = arith.constant 0 : i32
        %dma_start3A_456 = tpu.memref_slice %arg3[%dma_start3A_454, %dma_start3A_455] : memref<1000000x64xf32, #tpu.memory_space<hbm>> -> memref<1000000x64xf32, #tpu.memory_space<hbm>>
        %dma_start3A_457 = tpu.memref_slice %arg7[%dma_start3A_446] : memref<10x!tpu.dma_semaphore, #tpu.memory_space<semaphore_mem>> -> memref<1x!tpu.dma_semaphore, #tpu.memory_space<semaphore_mem>>
        %dma_start3A_458 = tpu.memref_squeeze %dma_start3A_457 : memref<1x!tpu.dma_semaphore, #tpu.memory_space<semaphore_mem>> -> memref<!tpu.dma_semaphore, #tpu.memory_space<semaphore_mem>>
        tpu.enqueue_indirect_dma source(%dma_start3A_456 : memref<1000000x64xf32, #tpu.memory_space<hbm>>) target(%dma_start3A_450 : memref<128x64xf32, #tpu.memory_space<vmem>>) offsets(%dma_start3A_453 : memref<128xi32, #tpu.memory_space<vmem>>) semaphore(%dma_start3A_458 : memref<!tpu.dma_semaphore, #tpu.memory_space<semaphore_mem>>)
      } else {
      }
    }
    %scan3A_158 = arith.constant 20 : i32
    return
  }
}

</mosaic_0001>

<sc_bundles>
// kernel: _emb_lookup.3.cloned.1.call-start
scs
__scs_entry_jumppad:
0x0: {  	(pc) =	sbr.rel $0x88, $3  }
0x1: {  	(tag) =	ssettag $0x0;
	lr =	simm.s32 $0x1  }
0x2: {  	[smem:$0x3F9F] =	sst lr;
	_ =	strace $0xD0000000  }
0x3: {  	_ = 	snop  }
0x4: {  	_ = 	snop  }
0x5: {  	_ = 	snop  }
0x6: {  	_ = 	snop  }
0x7: {  	_ = 	snop  }
__scs_overlays_trampoline_lowered:
0x8: {  	[smem:$0x3FAE] =	sst s0  }
0x9: {  	[smem:$0x3FAF] =	sst s1  }
0xa: {  	[smem:$0x3FB0] =	sst s2  }
0xb: {  	[smem:$0x3FB1] =	sst s3  }
0xc: {  	[smem:$0x3FB2] =	sst s4  }
0xd: {  	[smem:$0x3FB3] =	sst s5  }
0xe: {  	[smem:$0x3FB4] =	sst s6  }
0xf: {  	[smem:$0x3FB5] =	sst s7  }
0x10: {  	[smem:$0x3FB6] =	sst s8  }
0x11: {  	[smem:$0x3FB7] =	sst s9;
	s0 =	simm.s32 @!p0 $0x0  }
0x12: {  	s1 =	sld [smem:$0x3F9D];
	s0 =	simm.s32 @p0 $0x1  }
0x13: {  	[smem:$0x3FB8] =	sst s0;
	s0 =	simm.s32 @!p1 $0x0  }
0x14: {  	s2 =	sld [smem:$0x3F9C];
	s0 =	simm.s32 @p1 $0x1  }
0x15: {  	[smem:$0x3FB9] =	sst s0;
	s0 =	simm.s32 @!p2 $0x0  }
0x16: {  	s3 =	sld [smem:$0x3FDB];
	s0 =	simm.s32 @p2 $0x1  }
0x17: {  	s4 =	simm.s32 $0x1BF5;
	[smem:$0x3FBB] =	sst s0  }
0x18: {  	s0 =	sld [smem:$0x3F9E];
	_ =	swait.ge [sflag:s4], $0x0  }
0x19: {  	s7 =	sld [smem:$0x3F9F]  }
0x1a: {  	s8 =	sadd.s32 $0xFFFFE003, lr  }
0x1b: {  	s9 =	sadd.s32 $0xFFFFFEF7, lr;
	s5 =	simm.s32 $0xFFFFFFFF;
	p2 =	slt.u32 s8, $0xFFFFF086  }
0x1c: {  	p1 =	slt.u32 s9, $0xF7A;
	s5 =	simm.s32 @!p2 $0x0  }
0x1d: {  	s5 =	simm.s32 @p1 $0x1;
	p0 =	seq.s32 s7, s2  }
0x1e: {  	s7 =	smul.u32 @!p0 $0xF7A, s2;
	p2 =	seq.s32 @!p0 s5, $0x0  }
0x1f: {  	s9 =	smul.u32 $0xF7A, s1;
	s8 =	simm.s32 @!p0 $0x1BF5;
	p2 =	por !p2, p0  }
0x20: {  	[sflag:s8] =	ssyncset.s32 @!p0 $0xFFFFF086;
	s6 =	sadd.s32 @!p0 s3, s7;
	s7 =	simm.s32 @!p0 $0x108  }
0x21: {  	s3 =	sadd.s32 s3, s9;
	s6 =	sadd.s32 @!p0 $0x88, s6;
	s7 =	simm.s32 @p2 $0x1082  }
0x22: {  	[simem:s7], [sflag:s8] =	dma.local @!p0 [hbm:s6], $0xF7A  }
0x23: {  	s9 =	sor.u32 $0xD0000000, s2;
	s6 =	simm.s32 $0x108;
	_ =	swait.ge @!p0 [sflag:s8], $0x0  }
0x24: {  	s3 =	sadd.s32 $0x88, s3;
	s6 =	simm.s32 @!p1 $0x1082;
	[sflag:s4] =	ssyncset.s32 $0xFFFFF086  }
0x25: {  	[simem:s6], [sflag:s4] =	dma.local [hbm:s3], $0xF7A  }
0x26: {  	[smem:$0x3F9F] =	sst s1;
	(tag) =	ssettag s2;
	_ =	strace s9  }
0x27: {  	s1 =	sld [smem:$0x3FAF]  }
0x28: {  	s2 =	sld [smem:$0x3FB0]  }
0x29: {  	s4 =	sld [smem:$0x3FB2]  }
0x2a: {  	p0 =	seq.s32 s5, $0x0;
	s5 =	sld [smem:$0x3FB3]  }
0x2b: {  	s6 =	sld [smem:$0x3FB4]  }
0x2c: {  	s7 =	sld [smem:$0x3FB5]  }
0x2d: {  	s3 =	simm.s32 $0x108;
	s8 =	sld [smem:$0x3FB6]  }
0x2e: {  	s3 =	simm.s32 @!p0 $0x1082;
	s9 =	sld [smem:$0x3FB7]  }
0x2f: {  	lr =	sadd.s32 s0, s3;
	s0 =	sld [smem:$0x3FAE]  }
0x30: {  	s3 =	sld [smem:$0x3FB1]  }
0x31: {  	[smem:$0x3FBA] =	sst s10  }
0x32: {  	s10 =	sld [smem:$0x3FB8];
	_ =	sdelay $0x3  }
0x33: {  	p0 =	seq.s32 s10, $0x1;
	s10 =	sld [smem:$0x3FBA];
	_ =	sdelay $0x3  }
0x34: {  	[smem:$0x3FBA] =	sst s10  }
0x35: {  	s10 =	sld [smem:$0x3FB9];
	_ =	sdelay $0x3  }
0x36: {  	p1 =	seq.s32 s10, $0x1;
	s10 =	sld [smem:$0x3FBA];
	_ =	sdelay $0x3  }
0x37: {  	[smem:$0x3FBA] =	sst s10  }
0x38: {  	s10 =	sld [smem:$0x3FBB]  }
0x39: {  	_ = 	snop;
	(pc) =	sbr.ind lr, $3  }
0x3a: {  	_ = 	snop  }
0x3b: {  	_ = 	snop  }
0x3c: {  	p2 =	seq.s32 s10, $0x1;
	s10 =	sld [smem:$0x3FBA]  }
0x3d: {  	_ =	shalt  }
0x3e: {  	_ =	shalt  }
0x3f: {  	_ =	shalt  }
0x40: {  	_ =	shalt  }
0x41: {  	_ =	shalt  }
0x42: {  	_ =	shalt  }
0x43: {  	_ =	shalt  }
0x44: {  	_ =	shalt  }
0x45: {  	_ =	shalt  }
0x46: {  	_ =	shalt  }
0x47: {  	_ =	shalt  }
0x48: {  	_ =	shalt  }
0x49: {  	_ =	shalt  }
0x4a: {  	_ =	shalt  }
0x4b: {  	_ =	shalt  }
0x4c: {  	_ =	shalt  }
0x4d: {  	_ =	shalt  }
0x4e: {  	_ =	shalt  }
0x4f: {  	_ =	shalt  }
0x50: {  	_ =	shalt  }
0x51: {  	_ =	shalt  }
0x52: {  	_ =	shalt  }
0x53: {  	_ =	shalt  }
0x54: {  	_ =	shalt  }
0x55: {  	_ =	shalt  }
0x56: {  	_ =	shalt  }
0x57: {  	_ =	shalt  }
0x58: {  	_ =	shalt  }
0x59: {  	_ =	shalt  }
0x5a: {  	_ =	shalt  }
0x5b: {  	_ =	shalt  }
0x5c: {  	_ =	shalt  }
0x5d: {  	_ =	shalt  }
0x5e: {  	_ =	shalt  }
0x5f: {  	_ =	shalt  }
0x60: {  	_ =	shalt  }
0x61: {  	_ =	shalt  }
0x62: {  	_ =	shalt  }
0x63: {  	_ =	shalt  }
0x64: {  	_ =	shalt  }
0x65: {  	_ =	shalt  }
0x66: {  	_ =	shalt  }
0x67: {  	_ =	shalt  }
0x68: {  	_ =	shalt  }
0x69: {  	_ =	shalt  }
0x6a: {  	_ =	shalt  }
0x6b: {  	_ =	shalt  }
0x6c: {  	_ =	shalt  }
0x6d: {  	_ =	shalt  }
0x6e: {  	_ =	shalt  }
0x6f: {  	_ =	shalt  }
0x70: {  	_ =	shalt  }
0x71: {  	_ =	shalt  }
0x72: {  	_ =	shalt  }
0x73: {  	_ =	shalt  }
0x74: {  	_ =	shalt  }
0x75: {  	_ =	shalt  }
0x76: {  	_ =	shalt  }
0x77: {  	_ =	shalt  }
0x78: {  	_ =	shalt  }
0x79: {  	_ =	shalt  }
0x7a: {  	_ =	shalt  }
0x7b: {  	_ =	shalt  }
0x7c: {  	_ =	shalt  }
0x7d: {  	_ =	shalt  }
0x7e: {  	_ =	shalt  }
0x7f: {  	_ =	shalt  }
0x80: {  	_ =	shalt  }
0x81: {  	_ =	shalt  }
0x82: {  	_ =	shalt  }
0x83: {  	_ =	shalt  }
0x84: {  	_ =	shalt  }
0x85: {  	_ =	shalt  }
0x86: {  	_ =	shalt  }
0x87: {  	_ =	shalt  }
.Lfunc_end0:
.L_simem_size_0:
called_computation_lowered:
.L_overlay_start_0:
0x88: {  	s2 =	sld [smem:$0x3FD9]  }
0x89: {  	s3 =	sld [smem:$0x3FFE];
	_ =	sdelay $0x1  }
0x8a: {  	s1 =	srdreg.scid  }
0x8b: {  	s0 =	sand.u32 $0x1, s1  }
0x8c: {  	s17 =	sshll.u32 s0, $0xA;
	s2 =	sadd.s32 s3, s2  }
0x8d: {  	s2 =	sadd.s32 s2, s17  }
0x8e: {  	[smem:$0x3FC6] =	sst s2  }
0x8f: {  	_ = 	snop  }
0x90: {  	s2 =	sld [smem:$0x3FC9]  }
0x91: {  	s18 =	sld [smem:$0x3FD0];
	(tm) =	ssettm $0x1  }
0x92: {  	s4 =	sld [smem:$0x3FFB];
	_ =	sdelay $0x3  }
0x93: {  	_ =	strace s4  }
0x94: {  	s4 =	sld [smem:$0x3FFC];
	_ =	sdelay $0x3  }
0x95: {  	_ =	strace s4  }
0x96: {  	s4 =	sld [smem:$0x3FFD];
	_ =	sdelay $0x3  }
0x97: {  	_ =	strace s4  }
0x98: {  	_ =	strace $0x8FFFFFFF  }
0x99: {  	s19 =	sld [smem:$0x3FDB];
	_ =	sdelay $0x1  }
0x9a: {  	s5 =	simm.s32 $_scs_section_size  }
0x9b: {  	s6 =	simm.s32 $_size__tile_overlayer_lowered;
	s7 =	simm.s32 $_tile_overlayer_lowered  }
0x9c: {  	s22 =	simm.s32 $0x1BFF;
	s21 =	sshll.u32 s7, $0x1;
	s4 =	sadd.s32 s5, s19  }
0x9d: {  	s8 =	simm.s32 $0x0;
	s20 =	sshll.u32 s6, $0x1;
	s6 =	sadd.s32 s21, s4  }
0x9e: {  	[timem:s8], [sflag:s22] =	dma.local [hbm:s6], s20  }
0x9f: {  	_ =	swait.ge [sflag:s22], s20  }
0xa0: {  	s5 =	ssub.s32 $0x0, s20;
	[sflag:s22] =	ssyncset.done $0x0  }
0xa1: {  	[sflag:s22] =	ssyncadd.s32 s5;
	_ =	sdelay $0x1  }
0xa2: {  	s23 =	simm.s32 $0x1B8B  }
0xa3: {  	_ =	swait.ge [sflag:s23], $0x1  }
0xa4: {  	[sflag:s23] =	ssyncset.done $0x0  }
0xa5: {  	s25 =	simm.s32 $0x1B8E;
	s24 =	sld [smem:$0x3FFE];
	[sflag:s23] =	ssyncadd.s32 $0xFFFFFFFF  }
0xa6: {  	s26 =	simm.s32 $execute0_lowered;
	[smem:$0x3FD2] =	sst s25  }
0xa7: {  	s6 =	sshll.u32 s26, $0x1;
	_ =	strace $0x80000046;
	[dreg:$0x1] =	wrdreg $0xFFFFFFFF  }
0xa8: {  	s28 =	simm.s32 $_size_execute0_lowered;
	s4 =	sadd.s32 s4, s6;
	[dreg:$0x0] =	wrdreg $0x0  }
0xa9: {  	s6 =	sshll.u32 s28, $0x1;
	[dreg:$0x2] =	wrdreg s4  }
0xaa: {  	[dreg:$0x3] =	wrdreg s6  }
0xab: {  	[dreg:$0x4] =	wrdreg $0xC0  }
0xac: {  	_ =	task [dreg:s8], $0x5FFFF  }
0xad: {  	[dreg:$0x1] =	wrdreg $0xFFFFFFFF  }
0xae: {  	[dreg:$0x0] =	wrdreg $0x60  }
0xaf: {  	[dreg:$0x2] =	wrdreg s2  }
0xb0: {  	[dreg:$0x3] =	wrdreg s24  }
0xb1: {  	[dreg:$0x4] =	wrdreg s18  }
0xb2: {  	[dreg:$0x5] =	wrdreg $0x9  }
0xb3: {  	_ =	task.clear_ibuf [dreg:s8], $0x6FFFF;
	_ =	strace $0x90000046  }
0xb4: {  	s29 =	simm.s32 $0x9;
	_ =	strace $0x80000048  }
0xb5: {  	_ =	swait.ge [sflag:s29], $0x1  }
0xb6: {  	[sflag:s29] =	ssyncadd.s32 $0xFFFFFFFF  }
0xb7: {  	_ =	strace $0x90000048  }
0xb8: {  	_ =	sfence  }
0xb9: {  	s30 =	sld [smem:$0x0];
	_ =	sdelay $0x2  }
0xba: {  	s31 =	sshll.u32 s1, $0xD;
	s1 =	sshrl.u32 s1, $0x2  }
0xbb: {  	s3 =	sand.u32 $0x4000, s31;
	s1 =	sadd.s32 s1, s30  }
0xbc: {  	s0 =	sor.u32 s3, s0;
	s1 =	sshll.u32 s1, $0x11  }
0xbd: {  	s0 =	sor.u32 s1, s0  }
0xbe: {  	s0 =	sadd.s32 $0x8F2B, s0  }
0xbf: {  	[sflag:s0] =	ssyncadd.remote.s32 $0x1  }
0xc0: {  	_ =	sfence.sel $0xFFFF  }
0xc1: {  	[dreg:$0x0] =	wrdreg $0xFFFFFFFF;
	(pc) =	sbr.abs _section_cstart, $3  }
0xc2: {  	[dreg:$0x1] =	wrdreg $0xFFFFFFFF  }
0xc3: {  	_ =	task.clear_ibuf [dreg:s8], $0x2FFFF;
	_ =	strace $0x9FFFFFFF  }
0xc4: {  	(tm) =	ssettm $0x7FFFFFFF  }
0xc5: {  	_ =	shalt  }
tec
execute0_lowered:
.L_overlay_start_1:
0x0: {  	(tag) =	ssettag $0x1  }
0x1: {  	s0 =	rddreg [dreg:$0x0]  }
0x2: {  	s1 =	rddreg [dreg:$0x1];
	s4 =	simm.s32 $0x0  }
0x3: {  	s2 =	srdreg.scid;
	s11 =	stileid.u32;
	s17 =	simm.s32 $0xB  }
0x4: {  	s18 =	simm.s32 $0x80;
	s25 =	simm.s32 $0x18400;
	s28 =	simm.s32 $0x1  }
0x5: {  	s30 =	simm.s32 $0x40;
	s23 =	simm.s32 $0x4;
	s19 =	simm.s32 $0x8  }
0x6: {  	s20 =	simm.s32 $0x9;
	s22 =	simm.s32 $0xA;
	s21 =	simm.s32 $0x0  }
0x7: {  	s2 =	sand.u32 $0x1, s2;
	s3 =	sshll.u32 s11, $0x1;
	s5 =	smul.u32 $0xC800, s11  }
0x8: {  	[smem:$0x7FF] =	sst s4;
	s4 =	sadd.s32 $0xF42800, s1;
	s31 =	smul.u32 $0xC8000, s11  }
0x9: {  	s3 =	sor.u32 s2, s3;
	s6 =	smul.u32 $0x6400, s2;
	s7 =	ssub.s32 $0x2, s2  }
0xa: {  	_ =	strace $0x80000047;
	s2 =	smul.u32 $0x64000, s2;
	s26 =	sshrl.u32 s7, $0x1  }
0xb: {  	s3 =	smul.u32 $0xC80, s3;
	s5 =	sadd.s32 s6, s5;
	s1 =	ssub.s32 s7, s26  }
0xc: {  	s16 =	sadd.s32 s2, s31;
	s2 =	simm.s32 $0x3;
	s6 =	simm.s32 $0x7  }
0xd: {  	s0 =	sadd.s32 s0, s3;
	s29 =	sshll.u32 s5, $0x4;
	s1 =	smax.u32 s1, $0x1  }
.Ltmp0:
0xe: {  	s3 =	simm.s32 $0x5;
	[dreg:$0x4] =	wrdreg s0;
	(pc) =	sbr.rel .LBB2_1-.Ltmp0, $4  }
0xf: {  	s5 =	simm.s32 $0x6;
	[dreg:$0x5] =	wrdreg s1;
	s7 =	sadd.s32 $0x4800, s29  }
0x10: {  	s8 =	sadd.s32 $0x4000, s29;
	s9 =	sor.u32 $0x3800, s29;
	s10 =	sor.u32 $0x3000, s29  }
0x11: {  	s11 =	sor.u32 $0x2800, s29;
	s12 =	sor.u32 $0x2000, s29;
	s13 =	sor.u32 $0x1800, s29  }
0x12: {  	s14 =	sor.u32 $0x1000, s29;
	s15 =	sor.u32 $0x800, s29;
	s0 =	simm.s32 $0x2  }
.LBB2_4:
0x13: {  	s21 =	rddreg [dreg:$0x6]  }
0x14: {  	s1 =	rddreg [dreg:$0x5];
	s21 =	sadd.s32 $0x1, s21  }
0x15: {  	p0 =	sne.s32 s21, s1  }
.Ltmp1:
0x16: {  	_ = 	snop;
	(pc) =	sbr.rel @!p0 .LBB2_5-.Ltmp1, $1  }
0x17: {  	_ =	sdelay $0x3  }
.LBB2_1:
0x18: {  	[dreg:$0x6] =	wrdreg s21  }
0x19: {  	s1 =	simm.s32 $0x0;
	s31 =	rddreg [dreg:$0x4]  }
0x1a: {  	[tilespmem:s1], [sflag:$0xB] =	stream.linear.gather [hbm4b:s31+s1], $0x6400, $0x38;
	[tilespmem:$0x1A400] =	vst v63  }
0x1b: {  	_ =	swait.ge [sflag:s17], $0x6400  }
0x1c: {  	[sflag:s17] =	ssyncset.done $0x0  }
0x1d: {  	s24 =	simm.s32 $0x6400;
	[sflag:s17] =	ssyncadd.s32 $0xFFFF9C00  }
0x1e: {  	[tilespmem:s24], [sflag:$0x1] =	stream.indirect.gather [hbm4b:s4+s18], $0x40, s1, s18, $0xb8;
	[tilespmem:$0x1A400] =	vst v63  }
0x1f: {  	s26 =	simm.s32 $0x8400  }
0x20: {  	[tilespmem:s26], [sflag:$0x2] =	stream.indirect.gather [hbm4b:s4+s18], $0x40, s18, s18, $0xb8;
	[tilespmem:$0x1A400] =	vst v63  }
0x21: {  	s29 =	simm.s32 $0x100;
	s31 =	simm.s32 $0xA400  }
0x22: {  	[tilespmem:s31], [sflag:$0x3] =	stream.indirect.gather [hbm4b:s4+s18], $0x40, s29, s18, $0xb8;
	[tilespmem:$0x1A400] =	vst v63  }
0x23: {  	s24 =	simm.s32 $0x180;
	s26 =	simm.s32 $0xC400  }
0x24: {  	[tilespmem:s26], [sflag:$0x4] =	stream.indirect.gather [hbm4b:s4+s18], $0x40, s24, s18, $0xb8;
	[tilespmem:$0x1A400] =	vst v63  }
0x25: {  	s29 =	simm.s32 $0x200;
	s31 =	simm.s32 $0xE400  }
0x26: {  	[tilespmem:s31], [sflag:$0x5] =	stream.indirect.gather [hbm4b:s4+s18], $0x40, s29, s18, $0xb8;
	[tilespmem:$0x1A400] =	vst v63  }
0x27: {  	s24 =	simm.s32 $0x280;
	s26 =	simm.s32 $0x10400  }
0x28: {  	[tilespmem:s26], [sflag:$0x6] =	stream.indirect.gather [hbm4b:s4+s18], $0x40, s24, s18, $0xb8;
	[tilespmem:$0x1A400] =	vst v63  }
0x29: {  	s29 =	simm.s32 $0x300;
	s31 =	simm.s32 $0x12400  }
0x2a: {  	[tilespmem:s31], [sflag:$0x7] =	stream.indirect.gather [hbm4b:s4+s18], $0x40, s29, s18, $0xb8;
	[tilespmem:$0x1A400] =	vst v63  }
0x2b: {  	s21 =	simm.s32 $0x380;
	s24 =	simm.s32 $0x14400  }
0x2c: {  	[tilespmem:s24], [sflag:$0x8] =	stream.indirect.gather [hbm4b:s4+s18], $0x40, s21, s18, $0xb8;
	[tilespmem:$0x1A400] =	vst v63  }
0x2d: {  	s26 =	simm.s32 $0x400;
	s29 =	simm.s32 $0x16400  }
0x2e: {  	[tilespmem:s29], [sflag:$0x9] =	stream.indirect.gather [hbm4b:s4+s18], $0x40, s26, s18, $0xb8;
	[tilespmem:$0x1A400] =	vst v63  }
0x2f: {  	s31 =	simm.s32 $0x480;
	s24 =	rddreg [dreg:$0x2];
	s26 =	simm.s32 $0x0  }
0x30: {  	[tilespmem:s25], [sflag:$0xA] =	stream.indirect.gather [hbm4b:s4+s18], $0x40, s31, s18, $0xb8;
	[tilespmem:$0x1A400] =	vst v63  }
.LBB2_2:
0x31: {  	_ =	swait.ge [sflag:s28], $0x2000  }
0x32: {  	[sflag:s28] =	ssyncset.done $0x0  }
0x33: {  	s29 =	sadd.s32 s24, s16;
	s1 =	simm.s32 $0x6400;
	[sflag:s28] =	ssyncadd.s32 $0xFFFFE000  }
0x34: {  	[hbm4b:s29+s30] =	stream.strided.scatter [tilespmem:s1], [sflag:$0xB], $0x2000, s18, s30, $0x38;
	[tilespmem:$0x1A400] =	vst v63  }
0x35: {  	p0 =	seq.s32 s26, $0x17C00;
	_ =	swait.ge [sflag:s17], $0x2000  }
0x36: {  	s31 =	simm.s32 @!p0 $0x80;
	s29 =	sshra.s32 @!p0 s26, $0x2;
	[sflag:s17] =	ssyncset.done $0x0  }
0x37: {  	s21 =	simm.s32 @!p0 $0x6400;
	s1 =	sadd.s32 @!p0 $0x500, s29;
	[sflag:s17] =	ssyncadd.s32 $0xFFFFE000  }
0x38: {  	[tilespmem:s21], [sflag:$0x1] =	stream.indirect.gather @!p0 [hbm4b:s4+s31], $0x40, s1, s31, $0xb8;
	[tilespmem:$0x1A400] =	vst v63  }
0x39: {  	_ =	swait.ge [sflag:s0], $0x2000  }
0x3a: {  	[sflag:s0] =	ssyncset.done $0x0  }
0x3b: {  	s1 =	sadd.s32 s24, s15;
	s21 =	simm.s32 $0x8400;
	[sflag:s0] =	ssyncadd.s32 $0xFFFFE000  }
0x3c: {  	[hbm4b:s1+s30] =	stream.strided.scatter [tilespmem:s21], [sflag:$0xB], $0x2000, s18, s30, $0x38;
	[tilespmem:$0x1A400] =	vst v63  }
0x3d: {  	_ =	swait.ge [sflag:s17], $0x2000  }
0x3e: {  	[sflag:s17] =	ssyncset.done $0x0  }
0x3f: {  	s1 =	sadd.s32 @!p0 $0x580, s29;
	s21 =	simm.s32 @!p0 $0x8400;
	[sflag:s17] =	ssyncadd.s32 $0xFFFFE000  }
0x40: {  	[tilespmem:s21], [sflag:$0x2] =	stream.indirect.gather @!p0 [hbm4b:s4+s31], $0x40, s1, s31, $0xb8;
	[tilespmem:$0x1A400] =	vst v63  }
0x41: {  	_ =	swait.ge [sflag:s2], $0x2000  }
0x42: {  	[sflag:s2] =	ssyncset.done $0x0  }
0x43: {  	s1 =	sadd.s32 s24, s14;
	s21 =	simm.s32 $0xA400;
	[sflag:s2] =	ssyncadd.s32 $0xFFFFE000  }
0x44: {  	[hbm4b:s1+s30] =	stream.strided.scatter [tilespmem:s21], [sflag:$0xB], $0x2000, s18, s30, $0x38;
	[tilespmem:$0x1A400] =	vst v63  }
0x45: {  	_ =	swait.ge [sflag:s17], $0x2000  }
0x46: {  	[sflag:s17] =	ssyncset.done $0x0  }
0x47: {  	s1 =	sadd.s32 @!p0 $0x600, s29;
	s21 =	simm.s32 @!p0 $0xA400;
	[sflag:s17] =	ssyncadd.s32 $0xFFFFE000  }
0x48: {  	[tilespmem:s21], [sflag:$0x3] =	stream.indirect.gather @!p0 [hbm4b:s4+s31], $0x40, s1, s31, $0xb8;
	[tilespmem:$0x1A400] =	vst v63  }
0x49: {  	_ =	swait.ge [sflag:s23], $0x2000  }
0x4a: {  	[sflag:s23] =	ssyncset.done $0x0  }
0x4b: {  	s1 =	sadd.s32 s24, s13;
	s21 =	simm.s32 $0xC400;
	[sflag:s23] =	ssyncadd.s32 $0xFFFFE000  }
0x4c: {  	[hbm4b:s1+s30] =	stream.strided.scatter [tilespmem:s21], [sflag:$0xB], $0x2000, s18, s30, $0x38;
	[tilespmem:$0x1A400] =	vst v63  }
0x4d: {  	_ =	swait.ge [sflag:s17], $0x2000  }
0x4e: {  	[sflag:s17] =	ssyncset.done $0x0  }
0x4f: {  	s1 =	sadd.s32 @!p0 $0x680, s29;
	s21 =	simm.s32 @!p0 $0xC400;
	[sflag:s17] =	ssyncadd.s32 $0xFFFFE000  }
0x50: {  	[tilespmem:s21], [sflag:$0x4] =	stream.indirect.gather @!p0 [hbm4b:s4+s31], $0x40, s1, s31, $0xb8;
	[tilespmem:$0x1A400] =	vst v63  }
0x51: {  	_ =	swait.ge [sflag:s3], $0x2000  }
0x52: {  	[sflag:s3] =	ssyncset.done $0x0  }
0x53: {  	s1 =	sadd.s32 s24, s12;
	s21 =	simm.s32 $0xE400;
	[sflag:s3] =	ssyncadd.s32 $0xFFFFE000  }
0x54: {  	[hbm4b:s1+s30] =	stream.strided.scatter [tilespmem:s21], [sflag:$0xB], $0x2000, s18, s30, $0x38;
	[tilespmem:$0x1A400] =	vst v63  }
0x55: {  	_ =	swait.ge [sflag:s17], $0x2000  }
0x56: {  	[sflag:s17] =	ssyncset.done $0x0  }
0x57: {  	s1 =	sadd.s32 @!p0 $0x700, s29;
	s21 =	simm.s32 @!p0 $0xE400;
	[sflag:s17] =	ssyncadd.s32 $0xFFFFE000  }
0x58: {  	[tilespmem:s21], [sflag:$0x5] =	stream.indirect.gather @!p0 [hbm4b:s4+s31], $0x40, s1, s31, $0xb8;
	[tilespmem:$0x1A400] =	vst v63  }
0x59: {  	_ =	swait.ge [sflag:s5], $0x2000  }
0x5a: {  	[sflag:s5] =	ssyncset.done $0x0  }
0x5b: {  	s1 =	sadd.s32 s24, s11;
	s21 =	simm.s32 $0x10400;
	[sflag:s5] =	ssyncadd.s32 $0xFFFFE000  }
0x5c: {  	[hbm4b:s1+s30] =	stream.strided.scatter [tilespmem:s21], [sflag:$0xB], $0x2000, s18, s30, $0x38;
	[tilespmem:$0x1A400] =	vst v63  }
0x5d: {  	_ =	swait.ge [sflag:s17], $0x2000  }
0x5e: {  	[sflag:s17] =	ssyncset.done $0x0  }
0x5f: {  	s1 =	sadd.s32 @!p0 $0x780, s29;
	s21 =	simm.s32 @!p0 $0x10400;
	[sflag:s17] =	ssyncadd.s32 $0xFFFFE000  }
0x60: {  	[tilespmem:s21], [sflag:$0x6] =	stream.indirect.gather @!p0 [hbm4b:s4+s31], $0x40, s1, s31, $0xb8;
	[tilespmem:$0x1A400] =	vst v63  }
0x61: {  	_ =	swait.ge [sflag:s6], $0x2000  }
0x62: {  	[sflag:s6] =	ssyncset.done $0x0  }
0x63: {  	s1 =	sadd.s32 s24, s10;
	s21 =	simm.s32 $0x12400;
	[sflag:s6] =	ssyncadd.s32 $0xFFFFE000  }
0x64: {  	[hbm4b:s1+s30] =	stream.strided.scatter [tilespmem:s21], [sflag:$0xB], $0x2000, s18, s30, $0x38;
	[tilespmem:$0x1A400] =	vst v63  }
0x65: {  	_ =	swait.ge [sflag:s17], $0x2000  }
0x66: {  	[sflag:s17] =	ssyncset.done $0x0  }
0x67: {  	s1 =	sadd.s32 @!p0 $0x800, s29;
	s21 =	simm.s32 @!p0 $0x12400;
	[sflag:s17] =	ssyncadd.s32 $0xFFFFE000  }
0x68: {  	[tilespmem:s21], [sflag:$0x7] =	stream.indirect.gather @!p0 [hbm4b:s4+s31], $0x40, s1, s31, $0xb8;
	[tilespmem:$0x1A400] =	vst v63  }
0x69: {  	_ =	swait.ge [sflag:s19], $0x2000  }
0x6a: {  	[sflag:s19] =	ssyncset.done $0x0  }
0x6b: {  	s1 =	sadd.s32 s24, s9;
	s21 =	simm.s32 $0x14400;
	[sflag:s19] =	ssyncadd.s32 $0xFFFFE000  }
0x6c: {  	[hbm4b:s1+s30] =	stream.strided.scatter [tilespmem:s21], [sflag:$0xB], $0x2000, s18, s30, $0x38;
	[tilespmem:$0x1A400] =	vst v63  }
0x6d: {  	_ =	swait.ge [sflag:s17], $0x2000  }
0x6e: {  	[sflag:s17] =	ssyncset.done $0x0  }
0x6f: {  	s1 =	sadd.s32 @!p0 $0x880, s29;
	s21 =	simm.s32 @!p0 $0x14400;
	[sflag:s17] =	ssyncadd.s32 $0xFFFFE000  }
0x70: {  	[tilespmem:s21], [sflag:$0x8] =	stream.indirect.gather @!p0 [hbm4b:s4+s31], $0x40, s1, s31, $0xb8;
	[tilespmem:$0x1A400] =	vst v63  }
0x71: {  	_ =	swait.ge [sflag:s20], $0x2000  }
0x72: {  	[sflag:s20] =	ssyncset.done $0x0  }
0x73: {  	s1 =	sadd.s32 s24, s8;
	s21 =	simm.s32 $0x16400;
	[sflag:s20] =	ssyncadd.s32 $0xFFFFE000  }
0x74: {  	[hbm4b:s1+s30] =	stream.strided.scatter [tilespmem:s21], [sflag:$0xB], $0x2000, s18, s30, $0x38;
	[tilespmem:$0x1A400] =	vst v63  }
0x75: {  	_ =	swait.ge [sflag:s17], $0x2000  }
0x76: {  	[sflag:s17] =	ssyncset.done $0x0  }
0x77: {  	s1 =	sadd.s32 @!p0 $0x900, s29;
	s21 =	simm.s32 @!p0 $0x16400;
	[sflag:s17] =	ssyncadd.s32 $0xFFFFE000  }
0x78: {  	[tilespmem:s21], [sflag:$0x9] =	stream.indirect.gather @!p0 [hbm4b:s4+s31], $0x40, s1, s31, $0xb8;
	[tilespmem:$0x1A400] =	vst v63  }
0x79: {  	_ =	swait.ge [sflag:s22], $0x2000  }
0x7a: {  	[sflag:s22] =	ssyncset.done $0x0  }
.Ltmp2:
0x7b: {  	s31 =	sadd.s32 s24, s7;
	[sflag:s22] =	ssyncadd.s32 $0xFFFFE000;
	(pc) =	sbr.rel @p0 .LBB2_4-.Ltmp2, $4  }
0x7c: {  	[hbm4b:s31+s30] =	stream.strided.scatter [tilespmem:s25], [sflag:$0xB], $0x2000, s18, s30, $0x38;
	[tilespmem:$0x1A400] =	vst v63  }
0x7d: {  	_ =	swait.ge [sflag:s17], $0x2000  }
0x7e: {  	[sflag:s17] =	ssyncset.done $0x0  }
0x7f: {  	[sflag:s17] =	ssyncadd.s32 $0xFFFFE000  }
.Ltmp3:
0x80: {  	(pc) =	sbr.rel .LBB2_2-.Ltmp3, $4  }
0x81: {  	_ = 	snop  }
0x82: {  	s1 =	sshra.s32 s26, $0x2  }
0x83: {  	s26 =	sadd.s32 $0x1400, s26;
	s24 =	sadd.s32 $0x5000, s24;
	s1 =	sadd.s32 $0x980, s1  }
0x84: {  	[tilespmem:s25], [sflag:$0xA] =	stream.indirect.gather [hbm4b:s4+s18], $0x40, s1, s18, $0xb8;
	[tilespmem:$0x1A400] =	vst v63  }
.LBB2_5:
0x85: {  	_ =	sfence.sel $0x180000  }
0x86: {  	[bflag:$0x0] =	sbarrier.arrive $0xFFFF  }
0x87: {  	_ =	strace $0x90000047  }
0x88: {  	s0 =	stileid.u32;
	[bflag:$0x2] =	sbarrier.arrive $0xFFFF  }
0x89: {  	p0 =	sne.s32 s0, $0x0;
	s0 =	rddreg [dreg:$0x3]  }
0x8a: {  	s0 =	sadd.s32 @!p0 $0x100000, s0  }
0x8b: {  	[sflag:s0] =	ssyncadd.tile.s32 @!p0 $0x1;
	_ =	shalt  }
.Lfunc_end2:
_tile_overlayer_lowered:
.L_overlay_start_2:
0x8c: {  	(tag) =	ssettag $0x2  }
0x8d: {  	s0 =	rddreg [dreg:$0x0];
	s2 =	stileid.u32  }
0x8e: {  	s1 =	rddreg [dreg:$0x1];
	p0 =	sne.s32 s2, $0x0  }
0x8f: {  	s3 =	rddreg [dreg:$0x2];
	[bflag:$0x3] =	sbarrier.arrive $0xFFFF;
	s2 =	simm.s32 @!p0 $0x1C0B  }
0x90: {  	[timem:s3], [sflag:s2] =	dma.local @!p0 [hbm:s0], s1  }
0x91: {  	s0 =	simm.s32 @!p0 $0xB  }
0x92: {  	_ =	swait.ge @!p0 [sflag:s0], s1  }
0x93: {  	s1 =	ssub.s32 @!p0 $0x0, s1;
	[sflag:s0] =	ssyncset.done @!p0 $0x0  }
0x94: {  	[sflag:s0] =	ssyncadd.s32 @!p0 s1  }
0x95: {  	[bflag:$0x3] =	sbarrier.arrive $0xFFFF  }
0x96: {  	_ =	shalt  }

</sc_bundles>
